<compile_context>
chip_gen: v7x
topology: tpu7x:2x2x1
jax: 0.10.2.dev20260603
libtpu: 0.0.44.dev20260713+nightly
codegen_flags: <defaults>
</compile_context>

<pallas_src>
import functools

import jax
import jax.numpy as jnp
from jax import lax
from jax.experimental import pallas as pl
from jax.experimental.pallas import tpu as pltpu
from jax.experimental.pallas import tpu_sc as plsc

_NUM_FIELDS = 26
_VOCAB = 100000
_EMB = 64
_BATCH = 4096

_NC = 2
_NS = 16
_NW = _NC * _NS
_ROWS = _BATCH * _NUM_FIELDS
_RPW = _ROWS // _NW
_CHUNK = 104
_NCHUNK = _RPW // _CHUNK
_NBUF = 8
_NROUND = _NCHUNK // _NBUF
_LANES = 16


def _body(table, xh, offh, out, xv, offv, rows, *sems):
    wid = lax.axis_index("s") * _NC + lax.axis_index("c")
    base = wid * _RPW

    pltpu.sync_copy(xh.at[pl.ds(base, _RPW)], xv)
    pltpu.sync_copy(offh, offv)

    def add_body(i, carry):
        sl = pl.ds(i * _LANES, _LANES)
        xv[sl] = xv[sl] + offv[sl]
        return carry

    lax.fori_loop(0, _RPW // _LANES, add_body, 0)

    def chunk_off(g):
        return pl.multiple_of(g * _CHUNK, 8)

    def fire_gather(g, b):
        pltpu.async_copy(
            table.at[xv.at[pl.ds(chunk_off(g), _CHUNK)]], rows.at[b], sems[b]
        )

    def wait_gather(g, b):
        pltpu.make_async_copy(
            table.at[xv.at[pl.ds(chunk_off(g), _CHUNK)]], rows.at[b], sems[b]
        ).wait()

    def fire_wb(g, b):
        pltpu.async_copy(
            rows.at[b], out.at[pl.ds(base + chunk_off(g), _CHUNK)], sems[b]
        )

    def wait_wb(g, b):
        pltpu.make_async_copy(
            rows.at[b], out.at[pl.ds(base + chunk_off(g), _CHUNK)], sems[b]
        ).wait()

    for b in range(_NBUF):
        fire_gather(b, b)

    def round_body(t, carry):
        for b in range(_NBUF):
            g = t * _NBUF + b
            wait_gather(g, b)
            fire_wb(g, b)
            wait_wb(g, b)
            fire_gather(g + _NBUF, b)
        return carry

    lax.fori_loop(0, _NROUND - 1, round_body, 0)

    for b in range(_NBUF):
        g = (_NROUND - 1) * _NBUF + b
        wait_gather(g, b)
        fire_wb(g, b)
        wait_wb(g, b)


@jax.jit
def _sc_gather(table_flat, x_flat, offs):
    mesh = plsc.VectorSubcoreMesh(core_axis_name="c", subcore_axis_name="s")
    f = functools.partial(
        pl.kernel,
        mesh=mesh,
        out_type=jax.ShapeDtypeStruct((_ROWS, _EMB), jnp.float32),
        scratch_types=[
            pltpu.VMEM((_RPW,), jnp.int32),
            pltpu.VMEM((_RPW,), jnp.int32),
            pltpu.VMEM((_NBUF, _CHUNK, _EMB), jnp.float32),
        ]
        + [pltpu.SemaphoreType.DMA] * _NBUF,
        compiler_params=pltpu.CompilerParams(use_tc_tiling_on_sc=False),
    )(_body)
    return f(table_flat, x_flat, offs)


def kernel(X, tables):
    table_flat = tables.reshape(_NUM_FIELDS * _VOCAB, _EMB)
    x_flat = X.reshape(-1)
    offs = jnp.tile(
        jnp.arange(_NUM_FIELDS, dtype=jnp.int32) * _VOCAB, _RPW // _NUM_FIELDS
    )
    out = _sc_gather(table_flat, x_flat, offs)
    return out.reshape(_BATCH, 1, _NUM_FIELDS * _EMB)

# --- scband reference (transcript-rebuilt; emitter-appended) ---
"""Pipeline reference for scband-categorical-embedder-16312285790817 (READ-ONLY COPY).

The authoritative reference and input builder live on the scoring server;
editing this copy changes nothing except your own understanding.
"""

import jax, jax.numpy as jnp
import numpy as np

NUM_FIELDS = 26
VOCAB = 100000
EMB = 64
BATCH = 4096


def setup_inputs(seed: int = 0) -> dict:
    key = jax.random.key(seed)
    k1, k2 = jax.random.split(key)
    # Categorical indices, one column per sparse field (in-range [0, VOCAB))
    X = jax.random.randint(k1, (BATCH, NUM_FIELDS), 0, VOCAB, dtype=jnp.int32)
    # One embedding table per field; all fields share the same vocab size so we
    # stack them as [NUM_FIELDS, VOCAB, EMB]. torch.nn.Embedding inits N(0, 1).
    tables = jax.random.normal(k2, (NUM_FIELDS, VOCAB, EMB), dtype=jnp.float32)
    return {"X": X, "tables": tables}


def reference(X, tables):
    # Faithful translation of CategoricalEmbedder.forward with X a 2-D int
    # tensor and max_norm=None:
    #   for each field f: out_f = embedders[f](X[:, f])   -> [B, EMB]
    #   out = concat(out_f, axis=1)                       -> [B, F*EMB]
    #   out = out[:, None, :]                             -> [B, 1, F*EMB]
    field_ids = jnp.arange(NUM_FIELDS)[None, :]            # [1, F]
    emb = tables[field_ids, X]                             # gather -> [B, F, EMB]
    out = emb.reshape(X.shape[0], NUM_FIELDS * EMB)        # concat along axis=1
    out = out[:, None, :]
    return out

if __name__ == "__main__":
    import jax
    _d = setup_inputs()
    print(jax.jit(kernel)(*tuple(_d.values())))

</pallas_src>

<mosaic_0001>
#map = affine_map<(d0, d1) -> (0, 0)>
#map1 = affine_map<(d0, d1) -> (0)>
module attributes {stable_mosaic.version = 14 : i64} {
  func.func @_body(%arg0: i32, %arg1: i32, %arg2: memref<2600000x64xf32, #tpu.memory_space<hbm>>, %arg3: memref<106496xi32, #tpu.memory_space<hbm>>, %arg4: memref<3328xi32, #tpu.memory_space<hbm>>, %arg5: memref<106496x64xf32, #tpu.memory_space<hbm>>, %arg6: memref<3328xi32, #tpu.memory_space<vmem>>, %arg7: memref<3328xi32, #tpu.memory_space<vmem>>, %arg8: memref<8x104x64xf32, #tpu.memory_space<vmem>>, %arg9: memref<!tpu.dma_semaphore, #tpu.memory_space<semaphore_mem>>, %arg10: memref<!tpu.dma_semaphore, #tpu.memory_space<semaphore_mem>>, %arg11: memref<!tpu.dma_semaphore, #tpu.memory_space<semaphore_mem>>, %arg12: memref<!tpu.dma_semaphore, #tpu.memory_space<semaphore_mem>>, %arg13: memref<!tpu.dma_semaphore, #tpu.memory_space<semaphore_mem>>, %arg14: memref<!tpu.dma_semaphore, #tpu.memory_space<semaphore_mem>>, %arg15: memref<!tpu.dma_semaphore, #tpu.memory_space<semaphore_mem>>, %arg16: memref<!tpu.dma_semaphore, #tpu.memory_space<semaphore_mem>>) attributes {dimension_semantics = [#tpu.dimension_semantics<core_parallel>, #tpu.dimension_semantics<subcore_parallel>], iteration_bounds = array<i64: 2, 16>, scalar_prefetch = 0 : i64, scratch_operands = 11 : i64, tpu.core_type = #tpu.core_type<sc_vector_subcore>, window_params = [{transform_indices = #map}, {transform_indices = #map1}, {transform_indices = #map1}, {transform_indices = #map}]} {
    %mul3A = arith.constant 2 : i32
    %mul3A_0 = arith.muli %arg1, %mul3A : i32
    %add3A = arith.addi %mul3A_0, %arg0 : i32
    %mul3A_1 = arith.constant 3328 : i32
    %mul3A_2 = arith.muli %add3A, %mul3A_1 : i32
    "tpu.region"() ({
      %run_scoped3A = tpu.sem_alloc : memref<!tpu.dma_semaphore, #tpu.memory_space<semaphore_mem>>
      %dma_start3A_443 = tpu.memref_slice %arg3[%mul3A_2] : memref<106496xi32, #tpu.memory_space<hbm>> -> memref<3328xi32, #tpu.memory_space<hbm>>
      %dma_start3A_444 = tpu.memref_slice %arg3[%mul3A_2] : memref<106496xi32, #tpu.memory_space<hbm>> -> memref<3328xi32, #tpu.memory_space<hbm>>
      tpu.enqueue_dma source(%dma_start3A_444 : memref<3328xi32, #tpu.memory_space<hbm>>) target(%arg6 : memref<3328xi32, #tpu.memory_space<vmem>>) target_semaphore(%run_scoped3A : memref<!tpu.dma_semaphore, #tpu.memory_space<semaphore_mem>>)
      %dma_wait3A_445 = tpu.memref_slice %arg3[%mul3A_2] : memref<106496xi32, #tpu.memory_space<hbm>> -> memref<3328xi32, #tpu.memory_space<hbm>>
      %dma_wait3A_446 = tpu.memref_slice %arg3[%mul3A_2] : memref<106496xi32, #tpu.memory_space<hbm>> -> memref<3328xi32, #tpu.memory_space<hbm>>
      tpu.wait_dma2 semaphore(%run_scoped3A : memref<!tpu.dma_semaphore, #tpu.memory_space<semaphore_mem>>) src(%dma_wait3A_446 : memref<3328xi32, #tpu.memory_space<hbm>>) dst(%arg6 : memref<3328xi32, #tpu.memory_space<vmem>>)
      tpu.yield
    }) : () -> ()
    "tpu.region"() ({
      %run_scoped3A = tpu.sem_alloc : memref<!tpu.dma_semaphore, #tpu.memory_space<semaphore_mem>>
      tpu.enqueue_dma source(%arg4 : memref<3328xi32, #tpu.memory_space<hbm>>) target(%arg7 : memref<3328xi32, #tpu.memory_space<vmem>>) target_semaphore(%run_scoped3A : memref<!tpu.dma_semaphore, #tpu.memory_space<semaphore_mem>>)
      tpu.wait_dma2 semaphore(%run_scoped3A : memref<!tpu.dma_semaphore, #tpu.memory_space<semaphore_mem>>) src(%arg4 : memref<3328xi32, #tpu.memory_space<hbm>>) dst(%arg7 : memref<3328xi32, #tpu.memory_space<vmem>>)
      tpu.yield
    }) : () -> ()
    %scan3A = arith.constant 0 : i32
    %scan3A_3 = arith.constant 0 : i32
    %scan3A_4 = arith.constant 208 : i32
    %scan3A_5 = arith.addi %scan3A_3, %scan3A_4 : i32
    %scan3A_6 = arith.constant 1 : i32
    scf.for %scan3A_443 = %scan3A_3 to %scan3A_5 step %scan3A_6  : i32 {
      %mul3A_444 = arith.constant 16 : i32
      %mul3A_445 = arith.muli %scan3A_443, %mul3A_444 : i32
      %get3A = arith.index_cast %mul3A_445 : i32 to index
      %get3A_446 = tpu.vector_load %arg6[%get3A] {strides = array<i32>} : memref<3328xi32, #tpu.memory_space<vmem>>, vector<16xi32>,
      %get3A_447 = vector.shape_cast %get3A_446 : vector<16xi32> to vector<16xi32>
      %get3A_448 = arith.index_cast %mul3A_445 : i32 to index
      %get3A_449 = tpu.vector_load %arg7[%get3A_448] {strides = array<i32>} : memref<3328xi32, #tpu.memory_space<vmem>>, vector<16xi32>,
      %get3A_450 = vector.shape_cast %get3A_449 : vector<16xi32> to vector<16xi32>
      %add3A_451 = arith.addi %get3A_447, %get3A_450 : vector<16xi32>
      %swap3A = arith.index_cast %mul3A_445 : i32 to index
      %swap3A_452 = tpu.vector_load %arg6[%swap3A] {strides = array<i32>} : memref<3328xi32, #tpu.memory_space<vmem>>, vector<16xi32>,
      %swap3A_453 = vector.shape_cast %swap3A_452 : vector<16xi32> to vector<16xi32>
      %swap3A_454 = vector.shape_cast %add3A_451 : vector<16xi32> to vector<16xi32>
      tpu.vector_store %arg6[%swap3A], %swap3A_454 {strides = array<i32>} : memref<3328xi32, #tpu.memory_space<vmem>>, vector<16xi32>,
    }
    %scan3A_7 = arith.constant 208 : i32
    %multiple_of3A = arith.constant 0 : i32
    %multiple_of3A_8 = tpu.assume_multiple %multiple_of3A, 8 : i32
    %dma_start3A = arith.constant 0 : i32
    %dma_start3A_9 = arith.constant 0 : i32
    %dma_start3A_10 = arith.constant 0 : i32
    %dma_start3A_11 = tpu.memref_slice %arg8[%dma_start3A, %dma_start3A_9, %dma_start3A_10] : memref<8x104x64xf32, #tpu.memory_space<vmem>> -> memref<1x104x64xf32, #tpu.memory_space<vmem>>
    %dma_start3A_12 = tpu.memref_squeeze %dma_start3A_11 : memref<1x104x64xf32, #tpu.memory_space<vmem>> -> memref<104x64xf32, #tpu.memory_space<vmem>>
    %dma_start3A_13 = tpu.memref_slice %arg6[%multiple_of3A_8] : memref<3328xi32, #tpu.memory_space<vmem>> -> memref<104xi32, #tpu.memory_space<vmem>>
    %dma_start3A_14 = arith.constant 0 : i32
    %dma_start3A_15 = arith.constant 0 : i32
    %dma_start3A_16 = tpu.memref_slice %arg2[%dma_start3A_14, %dma_start3A_15] : memref<2600000x64xf32, #tpu.memory_space<hbm>> -> memref<2600000x64xf32, #tpu.memory_space<hbm>>
    tpu.enqueue_indirect_dma source(%dma_start3A_16 : memref<2600000x64xf32, #tpu.memory_space<hbm>>) target(%dma_start3A_12 : memref<104x64xf32, #tpu.memory_space<vmem>>) offsets(%dma_start3A_13 : memref<104xi32, #tpu.memory_space<vmem>>) semaphore(%arg9 : memref<!tpu.dma_semaphore, #tpu.memory_space<semaphore_mem>>)
    %multiple_of3A_17 = arith.constant 104 : i32
    %multiple_of3A_18 = tpu.assume_multiple %multiple_of3A_17, 8 : i32
    %dma_start3A_19 = arith.constant 1 : i32
    %dma_start3A_20 = arith.constant 0 : i32
    %dma_start3A_21 = arith.constant 0 : i32
    %dma_start3A_22 = tpu.memref_slice %arg8[%dma_start3A_19, %dma_start3A_20, %dma_start3A_21] : memref<8x104x64xf32, #tpu.memory_space<vmem>> -> memref<1x104x64xf32, #tpu.memory_space<vmem>>
    %dma_start3A_23 = tpu.memref_squeeze %dma_start3A_22 : memref<1x104x64xf32, #tpu.memory_space<vmem>> -> memref<104x64xf32, #tpu.memory_space<vmem>>
    %dma_start3A_24 = tpu.memref_slice %arg6[%multiple_of3A_18] : memref<3328xi32, #tpu.memory_space<vmem>> -> memref<104xi32, #tpu.memory_space<vmem>>
    %dma_start3A_25 = arith.constant 0 : i32
    %dma_start3A_26 = arith.constant 0 : i32
    %dma_start3A_27 = tpu.memref_slice %arg2[%dma_start3A_25, %dma_start3A_26] : memref<2600000x64xf32, #tpu.memory_space<hbm>> -> memref<2600000x64xf32, #tpu.memory_space<hbm>>
    tpu.enqueue_indirect_dma source(%dma_start3A_27 : memref<2600000x64xf32, #tpu.memory_space<hbm>>) target(%dma_start3A_23 : memref<104x64xf32, #tpu.memory_space<vmem>>) offsets(%dma_start3A_24 : memref<104xi32, #tpu.memory_space<vmem>>) semaphore(%arg10 : memref<!tpu.dma_semaphore, #tpu.memory_space<semaphore_mem>>)
    %multiple_of3A_28 = arith.constant 208 : i32
    %multiple_of3A_29 = tpu.assume_multiple %multiple_of3A_28, 8 : i32
    %dma_start3A_30 = arith.constant 2 : i32
    %dma_start3A_31 = arith.constant 0 : i32
    %dma_start3A_32 = arith.constant 0 : i32
    %dma_start3A_33 = tpu.memref_slice %arg8[%dma_start3A_30, %dma_start3A_31, %dma_start3A_32] : memref<8x104x64xf32, #tpu.memory_space<vmem>> -> memref<1x104x64xf32, #tpu.memory_space<vmem>>
    %dma_start3A_34 = tpu.memref_squeeze %dma_start3A_33 : memref<1x104x64xf32, #tpu.memory_space<vmem>> -> memref<104x64xf32, #tpu.memory_space<vmem>>
    %dma_start3A_35 = tpu.memref_slice %arg6[%multiple_of3A_29] : memref<3328xi32, #tpu.memory_space<vmem>> -> memref<104xi32, #tpu.memory_space<vmem>>
    %dma_start3A_36 = arith.constant 0 : i32
    %dma_start3A_37 = arith.constant 0 : i32
    %dma_start3A_38 = tpu.memref_slice %arg2[%dma_start3A_36, %dma_start3A_37] : memref<2600000x64xf32, #tpu.memory_space<hbm>> -> memref<2600000x64xf32, #tpu.memory_space<hbm>>
    tpu.enqueue_indirect_dma source(%dma_start3A_38 : memref<2600000x64xf32, #tpu.memory_space<hbm>>) target(%dma_start3A_34 : memref<104x64xf32, #tpu.memory_space<vmem>>) offsets(%dma_start3A_35 : memref<104xi32, #tpu.memory_space<vmem>>) semaphore(%arg11 : memref<!tpu.dma_semaphore, #tpu.memory_space<semaphore_mem>>)
    %multiple_of3A_39 = arith.constant 312 : i32
    %multiple_of3A_40 = tpu.assume_multiple %multiple_of3A_39, 8 : i32
    %dma_start3A_41 = arith.constant 3 : i32
    %dma_start3A_42 = arith.constant 0 : i32
    %dma_start3A_43 = arith.constant 0 : i32
    %dma_start3A_44 = tpu.memref_slice %arg8[%dma_start3A_41, %dma_start3A_42, %dma_start3A_43] : memref<8x104x64xf32, #tpu.memory_space<vmem>> -> memref<1x104x64xf32, #tpu.memory_space<vmem>>
    %dma_start3A_45 = tpu.memref_squeeze %dma_start3A_44 : memref<1x104x64xf32, #tpu.memory_space<vmem>> -> memref<104x64xf32, #tpu.memory_space<vmem>>
    %dma_start3A_46 = tpu.memref_slice %arg6[%multiple_of3A_40] : memref<3328xi32, #tpu.memory_space<vmem>> -> memref<104xi32, #tpu.memory_space<vmem>>
    %dma_start3A_47 = arith.constant 0 : i32
    %dma_start3A_48 = arith.constant 0 : i32
    %dma_start3A_49 = tpu.memref_slice %arg2[%dma_start3A_47, %dma_start3A_48] : memref<2600000x64xf32, #tpu.memory_space<hbm>> -> memref<2600000x64xf32, #tpu.memory_space<hbm>>
    tpu.enqueue_indirect_dma source(%dma_start3A_49 : memref<2600000x64xf32, #tpu.memory_space<hbm>>) target(%dma_start3A_45 : memref<104x64xf32, #tpu.memory_space<vmem>>) offsets(%dma_start3A_46 : memref<104xi32, #tpu.memory_space<vmem>>) semaphore(%arg12 : memref<!tpu.dma_semaphore, #tpu.memory_space<semaphore_mem>>)
    %multiple_of3A_50 = arith.constant 416 : i32
    %multiple_of3A_51 = tpu.assume_multiple %multiple_of3A_50, 8 : i32
    %dma_start3A_52 = arith.constant 4 : i32
    %dma_start3A_53 = arith.constant 0 : i32
    %dma_start3A_54 = arith.constant 0 : i32
    %dma_start3A_55 = tpu.memref_slice %arg8[%dma_start3A_52, %dma_start3A_53, %dma_start3A_54] : memref<8x104x64xf32, #tpu.memory_space<vmem>> -> memref<1x104x64xf32, #tpu.memory_space<vmem>>
    %dma_start3A_56 = tpu.memref_squeeze %dma_start3A_55 : memref<1x104x64xf32, #tpu.memory_space<vmem>> -> memref<104x64xf32, #tpu.memory_space<vmem>>
    %dma_start3A_57 = tpu.memref_slice %arg6[%multiple_of3A_51] : memref<3328xi32, #tpu.memory_space<vmem>> -> memref<104xi32, #tpu.memory_space<vmem>>
    %dma_start3A_58 = arith.constant 0 : i32
    %dma_start3A_59 = arith.constant 0 : i32
    %dma_start3A_60 = tpu.memref_slice %arg2[%dma_start3A_58, %dma_start3A_59] : memref<2600000x64xf32, #tpu.memory_space<hbm>> -> memref<2600000x64xf32, #tpu.memory_space<hbm>>
    tpu.enqueue_indirect_dma source(%dma_start3A_60 : memref<2600000x64xf32, #tpu.memory_space<hbm>>) target(%dma_start3A_56 : memref<104x64xf32, #tpu.memory_space<vmem>>) offsets(%dma_start3A_57 : memref<104xi32, #tpu.memory_space<vmem>>) semaphore(%arg13 : memref<!tpu.dma_semaphore, #tpu.memory_space<semaphore_mem>>)
    %multiple_of3A_61 = arith.constant 520 : i32
    %multiple_of3A_62 = tpu.assume_multiple %multiple_of3A_61, 8 : i32
    %dma_start3A_63 = arith.constant 5 : i32
    %dma_start3A_64 = arith.constant 0 : i32
    %dma_start3A_65 = arith.constant 0 : i32
    %dma_start3A_66 = tpu.memref_slice %arg8[%dma_start3A_63, %dma_start3A_64, %dma_start3A_65] : memref<8x104x64xf32, #tpu.memory_space<vmem>> -> memref<1x104x64xf32, #tpu.memory_space<vmem>>
    %dma_start3A_67 = tpu.memref_squeeze %dma_start3A_66 : memref<1x104x64xf32, #tpu.memory_space<vmem>> -> memref<104x64xf32, #tpu.memory_space<vmem>>
    %dma_start3A_68 = tpu.memref_slice %arg6[%multiple_of3A_62] : memref<3328xi32, #tpu.memory_space<vmem>> -> memref<104xi32, #tpu.memory_space<vmem>>
    %dma_start3A_69 = arith.constant 0 : i32
    %dma_start3A_70 = arith.constant 0 : i32
    %dma_start3A_71 = tpu.memref_slice %arg2[%dma_start3A_69, %dma_start3A_70] : memref<2600000x64xf32, #tpu.memory_space<hbm>> -> memref<2600000x64xf32, #tpu.memory_space<hbm>>
    tpu.enqueue_indirect_dma source(%dma_start3A_71 : memref<2600000x64xf32, #tpu.memory_space<hbm>>) target(%dma_start3A_67 : memref<104x64xf32, #tpu.memory_space<vmem>>) offsets(%dma_start3A_68 : memref<104xi32, #tpu.memory_space<vmem>>) semaphore(%arg14 : memref<!tpu.dma_semaphore, #tpu.memory_space<semaphore_mem>>)
    %multiple_of3A_72 = arith.constant 624 : i32
    %multiple_of3A_73 = tpu.assume_multiple %multiple_of3A_72, 8 : i32
    %dma_start3A_74 = arith.constant 6 : i32
    %dma_start3A_75 = arith.constant 0 : i32
    %dma_start3A_76 = arith.constant 0 : i32
    %dma_start3A_77 = tpu.memref_slice %arg8[%dma_start3A_74, %dma_start3A_75, %dma_start3A_76] : memref<8x104x64xf32, #tpu.memory_space<vmem>> -> memref<1x104x64xf32, #tpu.memory_space<vmem>>
    %dma_start3A_78 = tpu.memref_squeeze %dma_start3A_77 : memref<1x104x64xf32, #tpu.memory_space<vmem>> -> memref<104x64xf32, #tpu.memory_space<vmem>>
    %dma_start3A_79 = tpu.memref_slice %arg6[%multiple_of3A_73] : memref<3328xi32, #tpu.memory_space<vmem>> -> memref<104xi32, #tpu.memory_space<vmem>>
    %dma_start3A_80 = arith.constant 0 : i32
    %dma_start3A_81 = arith.constant 0 : i32
    %dma_start3A_82 = tpu.memref_slice %arg2[%dma_start3A_80, %dma_start3A_81] : memref<2600000x64xf32, #tpu.memory_space<hbm>> -> memref<2600000x64xf32, #tpu.memory_space<hbm>>
    tpu.enqueue_indirect_dma source(%dma_start3A_82 : memref<2600000x64xf32, #tpu.memory_space<hbm>>) target(%dma_start3A_78 : memref<104x64xf32, #tpu.memory_space<vmem>>) offsets(%dma_start3A_79 : memref<104xi32, #tpu.memory_space<vmem>>) semaphore(%arg15 : memref<!tpu.dma_semaphore, #tpu.memory_space<semaphore_mem>>)
    %multiple_of3A_83 = arith.constant 728 : i32
    %multiple_of3A_84 = tpu.assume_multiple %multiple_of3A_83, 8 : i32
    %dma_start3A_85 = arith.constant 7 : i32
    %dma_start3A_86 = arith.constant 0 : i32
    %dma_start3A_87 = arith.constant 0 : i32
    %dma_start3A_88 = tpu.memref_slice %arg8[%dma_start3A_85, %dma_start3A_86, %dma_start3A_87] : memref<8x104x64xf32, #tpu.memory_space<vmem>> -> memref<1x104x64xf32, #tpu.memory_space<vmem>>
    %dma_start3A_89 = tpu.memref_squeeze %dma_start3A_88 : memref<1x104x64xf32, #tpu.memory_space<vmem>> -> memref<104x64xf32, #tpu.memory_space<vmem>>
    %dma_start3A_90 = tpu.memref_slice %arg6[%multiple_of3A_84] : memref<3328xi32, #tpu.memory_space<vmem>> -> memref<104xi32, #tpu.memory_space<vmem>>
    %dma_start3A_91 = arith.constant 0 : i32
    %dma_start3A_92 = arith.constant 0 : i32
    %dma_start3A_93 = tpu.memref_slice %arg2[%dma_start3A_91, %dma_start3A_92] : memref<2600000x64xf32, #tpu.memory_space<hbm>> -> memref<2600000x64xf32, #tpu.memory_space<hbm>>
    tpu.enqueue_indirect_dma source(%dma_start3A_93 : memref<2600000x64xf32, #tpu.memory_space<hbm>>) target(%dma_start3A_89 : memref<104x64xf32, #tpu.memory_space<vmem>>) offsets(%dma_start3A_90 : memref<104xi32, #tpu.memory_space<vmem>>) semaphore(%arg16 : memref<!tpu.dma_semaphore, #tpu.memory_space<semaphore_mem>>)
    %scan3A_94 = arith.constant 0 : i32
    %scan3A_95 = arith.constant 0 : i32
    %scan3A_96 = arith.constant 3 : i32
    %scan3A_97 = arith.addi %scan3A_95, %scan3A_96 : i32
    %scan3A_98 = arith.constant 1 : i32
    scf.for %scan3A_443 = %scan3A_95 to %scan3A_97 step %scan3A_98  : i32 {
      %mul3A_444 = arith.constant 8 : i32
      %mul3A_445 = arith.muli %scan3A_443, %mul3A_444 : i32
      %add3A_446 = arith.constant 0 : i32
      %add3A_447 = arith.addi %mul3A_445, %add3A_446 : i32
      %mul3A_448 = arith.constant 104 : i32
      %mul3A_449 = arith.muli %add3A_447, %mul3A_448 : i32
      %multiple_of3A_450 = tpu.assume_multiple %mul3A_449, 8 : i32
      %dma_wait3A_451 = arith.constant 0 : i32
      %dma_wait3A_452 = arith.constant 0 : i32
      %dma_wait3A_453 = arith.constant 0 : i32
      %dma_wait3A_454 = tpu.memref_slice %arg8[%dma_wait3A_451, %dma_wait3A_452, %dma_wait3A_453] : memref<8x104x64xf32, #tpu.memory_space<vmem>> -> memref<1x104x64xf32, #tpu.memory_space<vmem>>
      %dma_wait3A_455 = tpu.memref_squeeze %dma_wait3A_454 : memref<1x104x64xf32, #tpu.memory_space<vmem>> -> memref<104x64xf32, #tpu.memory_space<vmem>>
      %dma_wait3A_456 = tpu.memref_slice %arg6[%multiple_of3A_450] : memref<3328xi32, #tpu.memory_space<vmem>> -> memref<104xi32, #tpu.memory_space<vmem>>
      %dma_wait3A_457 = arith.constant 0 : i32
      %dma_wait3A_458 = arith.constant 0 : i32
      %dma_wait3A_459 = tpu.memref_slice %arg2[%dma_wait3A_457, %dma_wait3A_458] : memref<2600000x64xf32, #tpu.memory_space<hbm>> -> memref<2600000x64xf32, #tpu.memory_space<hbm>>
      tpu.wait_indirect_dma semaphore(%arg9 : memref<!tpu.dma_semaphore, #tpu.memory_space<semaphore_mem>>) src(%dma_wait3A_459 : memref<2600000x64xf32, #tpu.memory_space<hbm>>) dst(%dma_wait3A_455 : memref<104x64xf32, #tpu.memory_space<vmem>>)
      %mul3A_460 = arith.constant 104 : i32
      %mul3A_461 = arith.muli %add3A_447, %mul3A_460 : i32
      %multiple_of3A_462 = tpu.assume_multiple %mul3A_461, 8 : i32
      %add3A_463 = arith.addi %mul3A_2, %multiple_of3A_462 : i32
      %dma_start3A_464 = arith.constant 0 : i32
      %dma_start3A_465 = arith.constant 0 : i32
      %dma_start3A_466 = arith.constant 0 : i32
      %dma_start3A_467 = tpu.memref_slice %arg8[%dma_start3A_464, %dma_start3A_465, %dma_start3A_466] : memref<8x104x64xf32, #tpu.memory_space<vmem>> -> memref<1x104x64xf32, #tpu.memory_space<vmem>>
      %dma_start3A_468 = tpu.memref_squeeze %dma_start3A_467 : memref<1x104x64xf32, #tpu.memory_space<vmem>> -> memref<104x64xf32, #tpu.memory_space<vmem>>
      %dma_start3A_469 = arith.constant 0 : i32
      %dma_start3A_470 = tpu.memref_slice %arg5[%add3A_463, %dma_start3A_469] : memref<106496x64xf32, #tpu.memory_space<hbm>> -> memref<104x64xf32, #tpu.memory_space<hbm>>
      %dma_start3A_471 = arith.constant 0 : i32
      %dma_start3A_472 = tpu.memref_slice %arg5[%add3A_463, %dma_start3A_471] : memref<106496x64xf32, #tpu.memory_space<hbm>> -> memref<104x64xf32, #tpu.memory_space<hbm>>
      %dma_start3A_473 = arith.constant 0 : i32
      %dma_start3A_474 = arith.constant 0 : i32
      %dma_start3A_475 = tpu.memref_slice %arg8[%dma_start3A_464, %dma_start3A_473, %dma_start3A_474] : memref<8x104x64xf32, #tpu.memory_space<vmem>> -> memref<1x104x64xf32, #tpu.memory_space<vmem>>
      %dma_start3A_476 = tpu.memref_squeeze %dma_start3A_475 : memref<1x104x64xf32, #tpu.memory_space<vmem>> -> memref<104x64xf32, #tpu.memory_space<vmem>>
      tpu.enqueue_dma source(%dma_start3A_476 : memref<104x64xf32, #tpu.memory_space<vmem>>) target(%dma_start3A_472 : memref<104x64xf32, #tpu.memory_space<hbm>>) target_semaphore(%arg9 : memref<!tpu.dma_semaphore, #tpu.memory_space<semaphore_mem>>)
      %mul3A_477 = arith.constant 104 : i32
      %mul3A_478 = arith.muli %add3A_447, %mul3A_477 : i32
      %multiple_of3A_479 = tpu.assume_multiple %mul3A_478, 8 : i32
      %add3A_480 = arith.addi %mul3A_2, %multiple_of3A_479 : i32
      %dma_wait3A_481 = arith.constant 0 : i32
      %dma_wait3A_482 = arith.constant 0 : i32
      %dma_wait3A_483 = arith.constant 0 : i32
      %dma_wait3A_484 = tpu.memref_slice %arg8[%dma_wait3A_481, %dma_wait3A_482, %dma_wait3A_483] : memref<8x104x64xf32, #tpu.memory_space<vmem>> -> memref<1x104x64xf32, #tpu.memory_space<vmem>>
      %dma_wait3A_485 = tpu.memref_squeeze %dma_wait3A_484 : memref<1x104x64xf32, #tpu.memory_space<vmem>> -> memref<104x64xf32, #tpu.memory_space<vmem>>
      %dma_wait3A_486 = arith.constant 0 : i32
      %dma_wait3A_487 = tpu.memref_slice %arg5[%add3A_480, %dma_wait3A_486] : memref<106496x64xf32, #tpu.memory_space<hbm>> -> memref<104x64xf32, #tpu.memory_space<hbm>>
      %dma_wait3A_488 = arith.constant 0 : i32
      %dma_wait3A_489 = tpu.memref_slice %arg5[%add3A_480, %dma_wait3A_488] : memref<106496x64xf32, #tpu.memory_space<hbm>> -> memref<104x64xf32, #tpu.memory_space<hbm>>
      %dma_wait3A_490 = arith.constant 0 : i32
      %dma_wait3A_491 = arith.constant 0 : i32
      %dma_wait3A_492 = tpu.memref_slice %arg8[%dma_wait3A_481, %dma_wait3A_490, %dma_wait3A_491] : memref<8x104x64xf32, #tpu.memory_space<vmem>> -> memref<1x104x64xf32, #tpu.memory_space<vmem>>
      %dma_wait3A_493 = tpu.memref_squeeze %dma_wait3A_492 : memref<1x104x64xf32, #tpu.memory_space<vmem>> -> memref<104x64xf32, #tpu.memory_space<vmem>>
      tpu.wait_dma2 semaphore(%arg9 : memref<!tpu.dma_semaphore, #tpu.memory_space<semaphore_mem>>) src(%dma_wait3A_493 : memref<104x64xf32, #tpu.memory_space<vmem>>) dst(%dma_wait3A_489 : memref<104x64xf32, #tpu.memory_space<hbm>>)
      %add3A_494 = arith.constant 8 : i32
      %add3A_495 = arith.addi %add3A_447, %add3A_494 : i32
      %mul3A_496 = arith.constant 104 : i32
      %mul3A_497 = arith.muli %add3A_495, %mul3A_496 : i32
      %multiple_of3A_498 = tpu.assume_multiple %mul3A_497, 8 : i32
      %dma_start3A_499 = arith.constant 0 : i32
      %dma_start3A_500 = arith.constant 0 : i32
      %dma_start3A_501 = arith.constant 0 : i32
      %dma_start3A_502 = tpu.memref_slice %arg8[%dma_start3A_499, %dma_start3A_500, %dma_start3A_501] : memref<8x104x64xf32, #tpu.memory_space<vmem>> -> memref<1x104x64xf32, #tpu.memory_space<vmem>>
      %dma_start3A_503 = tpu.memref_squeeze %dma_start3A_502 : memref<1x104x64xf32, #tpu.memory_space<vmem>> -> memref<104x64xf32, #tpu.memory_space<vmem>>
      %dma_start3A_504 = tpu.memref_slice %arg6[%multiple_of3A_498] : memref<3328xi32, #tpu.memory_space<vmem>> -> memref<104xi32, #tpu.memory_space<vmem>>
      %dma_start3A_505 = arith.constant 0 : i32
      %dma_start3A_506 = arith.constant 0 : i32
      %dma_start3A_507 = tpu.memref_slice %arg2[%dma_start3A_505, %dma_start3A_506] : memref<2600000x64xf32, #tpu.memory_space<hbm>> -> memref<2600000x64xf32, #tpu.memory_space<hbm>>
      tpu.enqueue_indirect_dma source(%dma_start3A_507 : memref<2600000x64xf32, #tpu.memory_space<hbm>>) target(%dma_start3A_503 : memref<104x64xf32, #tpu.memory_space<vmem>>) offsets(%dma_start3A_504 : memref<104xi32, #tpu.memory_space<vmem>>) semaphore(%arg9 : memref<!tpu.dma_semaphore, #tpu.memory_space<semaphore_mem>>)
      %mul3A_508 = arith.constant 8 : i32
      %mul3A_509 = arith.muli %scan3A_443, %mul3A_508 : i32
      %add3A_510 = arith.constant 1 : i32
      %add3A_511 = arith.addi %mul3A_509, %add3A_510 : i32
      %mul3A_512 = arith.constant 104 : i32
      %mul3A_513 = arith.muli %add3A_511, %mul3A_512 : i32
      %multiple_of3A_514 = tpu.assume_multiple %mul3A_513, 8 : i32
      %dma_wait3A_515 = arith.constant 1 : i32
      %dma_wait3A_516 = arith.constant 0 : i32
      %dma_wait3A_517 = arith.constant 0 : i32
      %dma_wait3A_518 = tpu.memref_slice %arg8[%dma_wait3A_515, %dma_wait3A_516, %dma_wait3A_517] : memref<8x104x64xf32, #tpu.memory_space<vmem>> -> memref<1x104x64xf32, #tpu.memory_space<vmem>>
      %dma_wait3A_519 = tpu.memref_squeeze %dma_wait3A_518 : memref<1x104x64xf32, #tpu.memory_space<vmem>> -> memref<104x64xf32, #tpu.memory_space<vmem>>
      %dma_wait3A_520 = tpu.memref_slice %arg6[%multiple_of3A_514] : memref<3328xi32, #tpu.memory_space<vmem>> -> memref<104xi32, #tpu.memory_space<vmem>>
      %dma_wait3A_521 = arith.constant 0 : i32
      %dma_wait3A_522 = arith.constant 0 : i32
      %dma_wait3A_523 = tpu.memref_slice %arg2[%dma_wait3A_521, %dma_wait3A_522] : memref<2600000x64xf32, #tpu.memory_space<hbm>> -> memref<2600000x64xf32, #tpu.memory_space<hbm>>
      tpu.wait_indirect_dma semaphore(%arg10 : memref<!tpu.dma_semaphore, #tpu.memory_space<semaphore_mem>>) src(%dma_wait3A_523 : memref<2600000x64xf32, #tpu.memory_space<hbm>>) dst(%dma_wait3A_519 : memref<104x64xf32, #tpu.memory_space<vmem>>)
      %mul3A_524 = arith.constant 104 : i32
      %mul3A_525 = arith.muli %add3A_511, %mul3A_524 : i32
      %multiple_of3A_526 = tpu.assume_multiple %mul3A_525, 8 : i32
      %add3A_527 = arith.addi %mul3A_2, %multiple_of3A_526 : i32
      %dma_start3A_528 = arith.constant 1 : i32
      %dma_start3A_529 = arith.constant 0 : i32
      %dma_start3A_530 = arith.constant 0 : i32
      %dma_start3A_531 = tpu.memref_slice %arg8[%dma_start3A_528, %dma_start3A_529, %dma_start3A_530] : memref<8x104x64xf32, #tpu.memory_space<vmem>> -> memref<1x104x64xf32, #tpu.memory_space<vmem>>
      %dma_start3A_532 = tpu.memref_squeeze %dma_start3A_531 : memref<1x104x64xf32, #tpu.memory_space<vmem>> -> memref<104x64xf32, #tpu.memory_space<vmem>>
      %dma_start3A_533 = arith.constant 0 : i32
      %dma_start3A_534 = tpu.memref_slice %arg5[%add3A_527, %dma_start3A_533] : memref<106496x64xf32, #tpu.memory_space<hbm>> -> memref<104x64xf32, #tpu.memory_space<hbm>>
      %dma_start3A_535 = arith.constant 0 : i32
      %dma_start3A_536 = tpu.memref_slice %arg5[%add3A_527, %dma_start3A_535] : memref<106496x64xf32, #tpu.memory_space<hbm>> -> memref<104x64xf32, #tpu.memory_space<hbm>>
      %dma_start3A_537 = arith.constant 0 : i32
      %dma_start3A_538 = arith.constant 0 : i32
      %dma_start3A_539 = tpu.memref_slice %arg8[%dma_start3A_528, %dma_start3A_537, %dma_start3A_538] : memref<8x104x64xf32, #tpu.memory_space<vmem>> -> memref<1x104x64xf32, #tpu.memory_space<vmem>>
      %dma_start3A_540 = tpu.memref_squeeze %dma_start3A_539 : memref<1x104x64xf32, #tpu.memory_space<vmem>> -> memref<104x64xf32, #tpu.memory_space<vmem>>
      tpu.enqueue_dma source(%dma_start3A_540 : memref<104x64xf32, #tpu.memory_space<vmem>>) target(%dma_start3A_536 : memref<104x64xf32, #tpu.memory_space<hbm>>) target_semaphore(%arg10 : memref<!tpu.dma_semaphore, #tpu.memory_space<semaphore_mem>>)
      %mul3A_541 = arith.constant 104 : i32
      %mul3A_542 = arith.muli %add3A_511, %mul3A_541 : i32
      %multiple_of3A_543 = tpu.assume_multiple %mul3A_542, 8 : i32
      %add3A_544 = arith.addi %mul3A_2, %multiple_of3A_543 : i32
      %dma_wait3A_545 = arith.constant 1 : i32
      %dma_wait3A_546 = arith.constant 0 : i32
      %dma_wait3A_547 = arith.constant 0 : i32
      %dma_wait3A_548 = tpu.memref_slice %arg8[%dma_wait3A_545, %dma_wait3A_546, %dma_wait3A_547] : memref<8x104x64xf32, #tpu.memory_space<vmem>> -> memref<1x104x64xf32, #tpu.memory_space<vmem>>
      %dma_wait3A_549 = tpu.memref_squeeze %dma_wait3A_548 : memref<1x104x64xf32, #tpu.memory_space<vmem>> -> memref<104x64xf32, #tpu.memory_space<vmem>>
      %dma_wait3A_550 = arith.constant 0 : i32
      %dma_wait3A_551 = tpu.memref_slice %arg5[%add3A_544, %dma_wait3A_550] : memref<106496x64xf32, #tpu.memory_space<hbm>> -> memref<104x64xf32, #tpu.memory_space<hbm>>
      %dma_wait3A_552 = arith.constant 0 : i32
      %dma_wait3A_553 = tpu.memref_slice %arg5[%add3A_544, %dma_wait3A_552] : memref<106496x64xf32, #tpu.memory_space<hbm>> -> memref<104x64xf32, #tpu.memory_space<hbm>>
      %dma_wait3A_554 = arith.constant 0 : i32
      %dma_wait3A_555 = arith.constant 0 : i32
      %dma_wait3A_556 = tpu.memref_slice %arg8[%dma_wait3A_545, %dma_wait3A_554, %dma_wait3A_555] : memref<8x104x64xf32, #tpu.memory_space<vmem>> -> memref<1x104x64xf32, #tpu.memory_space<vmem>>
      %dma_wait3A_557 = tpu.memref_squeeze %dma_wait3A_556 : memref<1x104x64xf32, #tpu.memory_space<vmem>> -> memref<104x64xf32, #tpu.memory_space<vmem>>
      tpu.wait_dma2 semaphore(%arg10 : memref<!tpu.dma_semaphore, #tpu.memory_space<semaphore_mem>>) src(%dma_wait3A_557 : memref<104x64xf32, #tpu.memory_space<vmem>>) dst(%dma_wait3A_553 : memref<104x64xf32, #tpu.memory_space<hbm>>)
      %add3A_558 = arith.constant 8 : i32
      %add3A_559 = arith.addi %add3A_511, %add3A_558 : i32
      %mul3A_560 = arith.constant 104 : i32
      %mul3A_561 = arith.muli %add3A_559, %mul3A_560 : i32
      %multiple_of3A_562 = tpu.assume_multiple %mul3A_561, 8 : i32
      %dma_start3A_563 = arith.constant 1 : i32
      %dma_start3A_564 = arith.constant 0 : i32
      %dma_start3A_565 = arith.constant 0 : i32
      %dma_start3A_566 = tpu.memref_slice %arg8[%dma_start3A_563, %dma_start3A_564, %dma_start3A_565] : memref<8x104x64xf32, #tpu.memory_space<vmem>> -> memref<1x104x64xf32, #tpu.memory_space<vmem>>
      %dma_start3A_567 = tpu.memref_squeeze %dma_start3A_566 : memref<1x104x64xf32, #tpu.memory_space<vmem>> -> memref<104x64xf32, #tpu.memory_space<vmem>>
      %dma_start3A_568 = tpu.memref_slice %arg6[%multiple_of3A_562] : memref<3328xi32, #tpu.memory_space<vmem>> -> memref<104xi32, #tpu.memory_space<vmem>>
      %dma_start3A_569 = arith.constant 0 : i32
      %dma_start3A_570 = arith.constant 0 : i32
      %dma_start3A_571 = tpu.memref_slice %arg2[%dma_start3A_569, %dma_start3A_570] : memref<2600000x64xf32, #tpu.memory_space<hbm>> -> memref<2600000x64xf32, #tpu.memory_space<hbm>>
      tpu.enqueue_indirect_dma source(%dma_start3A_571 : memref<2600000x64xf32, #tpu.memory_space<hbm>>) target(%dma_start3A_567 : memref<104x64xf32, #tpu.memory_space<vmem>>) offsets(%dma_start3A_568 : memref<104xi32, #tpu.memory_space<vmem>>) semaphore(%arg10 : memref<!tpu.dma_semaphore, #tpu.memory_space<semaphore_mem>>)
      %mul3A_572 = arith.constant 8 : i32
      %mul3A_573 = arith.muli %scan3A_443, %mul3A_572 : i32
      %add3A_574 = arith.constant 2 : i32
      %add3A_575 = arith.addi %mul3A_573, %add3A_574 : i32
      %mul3A_576 = arith.constant 104 : i32
      %mul3A_577 = arith.muli %add3A_575, %mul3A_576 : i32
      %multiple_of3A_578 = tpu.assume_multiple %mul3A_577, 8 : i32
      %dma_wait3A_579 = arith.constant 2 : i32
      %dma_wait3A_580 = arith.constant 0 : i32
      %dma_wait3A_581 = arith.constant 0 : i32
      %dma_wait3A_582 = tpu.memref_slice %arg8[%dma_wait3A_579, %dma_wait3A_580, %dma_wait3A_581] : memref<8x104x64xf32, #tpu.memory_space<vmem>> -> memref<1x104x64xf32, #tpu.memory_space<vmem>>
      %dma_wait3A_583 = tpu.memref_squeeze %dma_wait3A_582 : memref<1x104x64xf32, #tpu.memory_space<vmem>> -> memref<104x64xf32, #tpu.memory_space<vmem>>
      %dma_wait3A_584 = tpu.memref_slice %arg6[%multiple_of3A_578] : memref<3328xi32, #tpu.memory_space<vmem>> -> memref<104xi32, #tpu.memory_space<vmem>>
      %dma_wait3A_585 = arith.constant 0 : i32
      %dma_wait3A_586 = arith.constant 0 : i32
      %dma_wait3A_587 = tpu.memref_slice %arg2[%dma_wait3A_585, %dma_wait3A_586] : memref<2600000x64xf32, #tpu.memory_space<hbm>> -> memref<2600000x64xf32, #tpu.memory_space<hbm>>
      tpu.wait_indirect_dma semaphore(%arg11 : memref<!tpu.dma_semaphore, #tpu.memory_space<semaphore_mem>>) src(%dma_wait3A_587 : memref<2600000x64xf32, #tpu.memory_space<hbm>>) dst(%dma_wait3A_583 : memref<104x64xf32, #tpu.memory_space<vmem>>)
      %mul3A_588 = arith.constant 104 : i32
      %mul3A_589 = arith.muli %add3A_575, %mul3A_588 : i32
      %multiple_of3A_590 = tpu.assume_multiple %mul3A_589, 8 : i32
      %add3A_591 = arith.addi %mul3A_2, %multiple_of3A_590 : i32
      %dma_start3A_592 = arith.constant 2 : i32
      %dma_start3A_593 = arith.constant 0 : i32
      %dma_start3A_594 = arith.constant 0 : i32
      %dma_start3A_595 = tpu.memref_slice %arg8[%dma_start3A_592, %dma_start3A_593, %dma_start3A_594] : memref<8x104x64xf32, #tpu.memory_space<vmem>> -> memref<1x104x64xf32, #tpu.memory_space<vmem>>
      %dma_start3A_596 = tpu.memref_squeeze %dma_start3A_595 : memref<1x104x64xf32, #tpu.memory_space<vmem>> -> memref<104x64xf32, #tpu.memory_space<vmem>>
      %dma_start3A_597 = arith.constant 0 : i32
      %dma_start3A_598 = tpu.memref_slice %arg5[%add3A_591, %dma_start3A_597] : memref<106496x64xf32, #tpu.memory_space<hbm>> -> memref<104x64xf32, #tpu.memory_space<hbm>>
      %dma_start3A_599 = arith.constant 0 : i32
      %dma_start3A_600 = tpu.memref_slice %arg5[%add3A_591, %dma_start3A_599] : memref<106496x64xf32, #tpu.memory_space<hbm>> -> memref<104x64xf32, #tpu.memory_space<hbm>>
      %dma_start3A_601 = arith.constant 0 : i32
      %dma_start3A_602 = arith.constant 0 : i32
      %dma_start3A_603 = tpu.memref_slice %arg8[%dma_start3A_592, %dma_start3A_601, %dma_start3A_602] : memref<8x104x64xf32, #tpu.memory_space<vmem>> -> memref<1x104x64xf32, #tpu.memory_space<vmem>>
      %dma_start3A_604 = tpu.memref_squeeze %dma_start3A_603 : memref<1x104x64xf32, #tpu.memory_space<vmem>> -> memref<104x64xf32, #tpu.memory_space<vmem>>
      tpu.enqueue_dma source(%dma_start3A_604 : memref<104x64xf32, #tpu.memory_space<vmem>>) target(%dma_start3A_600 : memref<104x64xf32, #tpu.memory_space<hbm>>) target_semaphore(%arg11 : memref<!tpu.dma_semaphore, #tpu.memory_space<semaphore_mem>>)
      %mul3A_605 = arith.constant 104 : i32
      %mul3A_606 = arith.muli %add3A_575, %mul3A_605 : i32
      %multiple_of3A_607 = tpu.assume_multiple %mul3A_606, 8 : i32
      %add3A_608 = arith.addi %mul3A_2, %multiple_of3A_607 : i32
      %dma_wait3A_609 = arith.constant 2 : i32
      %dma_wait3A_610 = arith.constant 0 : i32
      %dma_wait3A_611 = arith.constant 0 : i32
      %dma_wait3A_612 = tpu.memref_slice %arg8[%dma_wait3A_609, %dma_wait3A_610, %dma_wait3A_611] : memref<8x104x64xf32, #tpu.memory_space<vmem>> -> memref<1x104x64xf32, #tpu.memory_space<vmem>>
      %dma_wait3A_613 = tpu.memref_squeeze %dma_wait3A_612 : memref<1x104x64xf32, #tpu.memory_space<vmem>> -> memref<104x64xf32, #tpu.memory_space<vmem>>
      %dma_wait3A_614 = arith.constant 0 : i32
      %dma_wait3A_615 = tpu.memref_slice %arg5[%add3A_608, %dma_wait3A_614] : memref<106496x64xf32, #tpu.memory_space<hbm>> -> memref<104x64xf32, #tpu.memory_space<hbm>>
      %dma_wait3A_616 = arith.constant 0 : i32
      %dma_wait3A_617 = tpu.memref_slice %arg5[%add3A_608, %dma_wait3A_616] : memref<106496x64xf32, #tpu.memory_space<hbm>> -> memref<104x64xf32, #tpu.memory_space<hbm>>
      %dma_wait3A_618 = arith.constant 0 : i32
      %dma_wait3A_619 = arith.constant 0 : i32
      %dma_wait3A_620 = tpu.memref_slice %arg8[%dma_wait3A_609, %dma_wait3A_618, %dma_wait3A_619] : memref<8x104x64xf32, #tpu.memory_space<vmem>> -> memref<1x104x64xf32, #tpu.memory_space<vmem>>
      %dma_wait3A_621 = tpu.memref_squeeze %dma_wait3A_620 : memref<1x104x64xf32, #tpu.memory_space<vmem>> -> memref<104x64xf32, #tpu.memory_space<vmem>>
      tpu.wait_dma2 semaphore(%arg11 : memref<!tpu.dma_semaphore, #tpu.memory_space<semaphore_mem>>) src(%dma_wait3A_621 : memref<104x64xf32, #tpu.memory_space<vmem>>) dst(%dma_wait3A_617 : memref<104x64xf32, #tpu.memory_space<hbm>>)
      %add3A_622 = arith.constant 8 : i32
      %add3A_623 = arith.addi %add3A_575, %add3A_622 : i32
      %mul3A_624 = arith.constant 104 : i32
      %mul3A_625 = arith.muli %add3A_623, %mul3A_624 : i32
      %multiple_of3A_626 = tpu.assume_multiple %mul3A_625, 8 : i32
      %dma_start3A_627 = arith.constant 2 : i32
      %dma_start3A_628 = arith.constant 0 : i32
      %dma_start3A_629 = arith.constant 0 : i32
      %dma_start3A_630 = tpu.memref_slice %arg8[%dma_start3A_627, %dma_start3A_628, %dma_start3A_629] : memref<8x104x64xf32, #tpu.memory_space<vmem>> -> memref<1x104x64xf32, #tpu.memory_space<vmem>>
      %dma_start3A_631 = tpu.memref_squeeze %dma_start3A_630 : memref<1x104x64xf32, #tpu.memory_space<vmem>> -> memref<104x64xf32, #tpu.memory_space<vmem>>
      %dma_start3A_632 = tpu.memref_slice %arg6[%multiple_of3A_626] : memref<3328xi32, #tpu.memory_space<vmem>> -> memref<104xi32, #tpu.memory_space<vmem>>
      %dma_start3A_633 = arith.constant 0 : i32
      %dma_start3A_634 = arith.constant 0 : i32
      %dma_start3A_635 = tpu.memref_slice %arg2[%dma_start3A_633, %dma_start3A_634] : memref<2600000x64xf32, #tpu.memory_space<hbm>> -> memref<2600000x64xf32, #tpu.memory_space<hbm>>
      tpu.enqueue_indirect_dma source(%dma_start3A_635 : memref<2600000x64xf32, #tpu.memory_space<hbm>>) target(%dma_start3A_631 : memref<104x64xf32, #tpu.memory_space<vmem>>) offsets(%dma_start3A_632 : memref<104xi32, #tpu.memory_space<vmem>>) semaphore(%arg11 : memref<!tpu.dma_semaphore, #tpu.memory_space<semaphore_mem>>)
      %mul3A_636 = arith.constant 8 : i32
      %mul3A_637 = arith.muli %scan3A_443, %mul3A_636 : i32
      %add3A_638 = arith.constant 3 : i32
      %add3A_639 = arith.addi %mul3A_637, %add3A_638 : i32
      %mul3A_640 = arith.constant 104 : i32
      %mul3A_641 = arith.muli %add3A_639, %mul3A_640 : i32
      %multiple_of3A_642 = tpu.assume_multiple %mul3A_641, 8 : i32
      %dma_wait3A_643 = arith.constant 3 : i32
      %dma_wait3A_644 = arith.constant 0 : i32
      %dma_wait3A_645 = arith.constant 0 : i32
      %dma_wait3A_646 = tpu.memref_slice %arg8[%dma_wait3A_643, %dma_wait3A_644, %dma_wait3A_645] : memref<8x104x64xf32, #tpu.memory_space<vmem>> -> memref<1x104x64xf32, #tpu.memory_space<vmem>>
      %dma_wait3A_647 = tpu.memref_squeeze %dma_wait3A_646 : memref<1x104x64xf32, #tpu.memory_space<vmem>> -> memref<104x64xf32, #tpu.memory_space<vmem>>
      %dma_wait3A_648 = tpu.memref_slice %arg6[%multiple_of3A_642] : memref<3328xi32, #tpu.memory_space<vmem>> -> memref<104xi32, #tpu.memory_space<vmem>>
      %dma_wait3A_649 = arith.constant 0 : i32
      %dma_wait3A_650 = arith.constant 0 : i32
      %dma_wait3A_651 = tpu.memref_slice %arg2[%dma_wait3A_649, %dma_wait3A_650] : memref<2600000x64xf32, #tpu.memory_space<hbm>> -> memref<2600000x64xf32, #tpu.memory_space<hbm>>
      tpu.wait_indirect_dma semaphore(%arg12 : memref<!tpu.dma_semaphore, #tpu.memory_space<semaphore_mem>>) src(%dma_wait3A_651 : memref<2600000x64xf32, #tpu.memory_space<hbm>>) dst(%dma_wait3A_647 : memref<104x64xf32, #tpu.memory_space<vmem>>)
      %mul3A_652 = arith.constant 104 : i32
      %mul3A_653 = arith.muli %add3A_639, %mul3A_652 : i32
      %multiple_of3A_654 = tpu.assume_multiple %mul3A_653, 8 : i32
      %add3A_655 = arith.addi %mul3A_2, %multiple_of3A_654 : i32
      %dma_start3A_656 = arith.constant 3 : i32
      %dma_start3A_657 = arith.constant 0 : i32
      %dma_start3A_658 = arith.constant 0 : i32
      %dma_start3A_659 = tpu.memref_slice %arg8[%dma_start3A_656, %dma_start3A_657, %dma_start3A_658] : memref<8x104x64xf32, #tpu.memory_space<vmem>> -> memref<1x104x64xf32, #tpu.memory_space<vmem>>
      %dma_start3A_660 = tpu.memref_squeeze %dma_start3A_659 : memref<1x104x64xf32, #tpu.memory_space<vmem>> -> memref<104x64xf32, #tpu.memory_space<vmem>>
      %dma_start3A_661 = arith.constant 0 : i32
      %dma_start3A_662 = tpu.memref_slice %arg5[%add3A_655, %dma_start3A_661] : memref<106496x64xf32, #tpu.memory_space<hbm>> -> memref<104x64xf32, #tpu.memory_space<hbm>>
      %dma_start3A_663 = arith.constant 0 : i32
      %dma_start3A_664 = tpu.memref_slice %arg5[%add3A_655, %dma_start3A_663] : memref<106496x64xf32, #tpu.memory_space<hbm>> -> memref<104x64xf32, #tpu.memory_space<hbm>>
      %dma_start3A_665 = arith.constant 0 : i32
      %dma_start3A_666 = arith.constant 0 : i32
      %dma_start3A_667 = tpu.memref_slice %arg8[%dma_start3A_656, %dma_start3A_665, %dma_start3A_666] : memref<8x104x64xf32, #tpu.memory_space<vmem>> -> memref<1x104x64xf32, #tpu.memory_space<vmem>>
      %dma_start3A_668 = tpu.memref_squeeze %dma_start3A_667 : memref<1x104x64xf32, #tpu.memory_space<vmem>> -> memref<104x64xf32, #tpu.memory_space<vmem>>
      tpu.enqueue_dma source(%dma_start3A_668 : memref<104x64xf32, #tpu.memory_space<vmem>>) target(%dma_start3A_664 : memref<104x64xf32, #tpu.memory_space<hbm>>) target_semaphore(%arg12 : memref<!tpu.dma_semaphore, #tpu.memory_space<semaphore_mem>>)
      %mul3A_669 = arith.constant 104 : i32
      %mul3A_670 = arith.muli %add3A_639, %mul3A_669 : i32
      %multiple_of3A_671 = tpu.assume_multiple %mul3A_670, 8 : i32
      %add3A_672 = arith.addi %mul3A_2, %multiple_of3A_671 : i32
      %dma_wait3A_673 = arith.constant 3 : i32
      %dma_wait3A_674 = arith.constant 0 : i32
      %dma_wait3A_675 = arith.constant 0 : i32
      %dma_wait3A_676 = tpu.memref_slice %arg8[%dma_wait3A_673, %dma_wait3A_674, %dma_wait3A_675] : memref<8x104x64xf32, #tpu.memory_space<vmem>> -> memref<1x104x64xf32, #tpu.memory_space<vmem>>
      %dma_wait3A_677 = tpu.memref_squeeze %dma_wait3A_676 : memref<1x104x64xf32, #tpu.memory_space<vmem>> -> memref<104x64xf32, #tpu.memory_space<vmem>>
      %dma_wait3A_678 = arith.constant 0 : i32
      %dma_wait3A_679 = tpu.memref_slice %arg5[%add3A_672, %dma_wait3A_678] : memref<106496x64xf32, #tpu.memory_space<hbm>> -> memref<104x64xf32, #tpu.memory_space<hbm>>
      %dma_wait3A_680 = arith.constant 0 : i32
      %dma_wait3A_681 = tpu.memref_slice %arg5[%add3A_672, %dma_wait3A_680] : memref<106496x64xf32, #tpu.memory_space<hbm>> -> memref<104x64xf32, #tpu.memory_space<hbm>>
      %dma_wait3A_682 = arith.constant 0 : i32
      %dma_wait3A_683 = arith.constant 0 : i32
      %dma_wait3A_684 = tpu.memref_slice %arg8[%dma_wait3A_673, %dma_wait3A_682, %dma_wait3A_683] : memref<8x104x64xf32, #tpu.memory_space<vmem>> -> memref<1x104x64xf32, #tpu.memory_space<vmem>>
      %dma_wait3A_685 = tpu.memref_squeeze %dma_wait3A_684 : memref<1x104x64xf32, #tpu.memory_space<vmem>> -> memref<104x64xf32, #tpu.memory_space<vmem>>
      tpu.wait_dma2 semaphore(%arg12 : memref<!tpu.dma_semaphore, #tpu.memory_space<semaphore_mem>>) src(%dma_wait3A_685 : memref<104x64xf32, #tpu.memory_space<vmem>>) dst(%dma_wait3A_681 : memref<104x64xf32, #tpu.memory_space<hbm>>)
      %add3A_686 = arith.constant 8 : i32
      %add3A_687 = arith.addi %add3A_639, %add3A_686 : i32
      %mul3A_688 = arith.constant 104 : i32
      %mul3A_689 = arith.muli %add3A_687, %mul3A_688 : i32
      %multiple_of3A_690 = tpu.assume_multiple %mul3A_689, 8 : i32
      %dma_start3A_691 = arith.constant 3 : i32
      %dma_start3A_692 = arith.constant 0 : i32
      %dma_start3A_693 = arith.constant 0 : i32
      %dma_start3A_694 = tpu.memref_slice %arg8[%dma_start3A_691, %dma_start3A_692, %dma_start3A_693] : memref<8x104x64xf32, #tpu.memory_space<vmem>> -> memref<1x104x64xf32, #tpu.memory_space<vmem>>
      %dma_start3A_695 = tpu.memref_squeeze %dma_start3A_694 : memref<1x104x64xf32, #tpu.memory_space<vmem>> -> memref<104x64xf32, #tpu.memory_space<vmem>>
      %dma_start3A_696 = tpu.memref_slice %arg6[%multiple_of3A_690] : memref<3328xi32, #tpu.memory_space<vmem>> -> memref<104xi32, #tpu.memory_space<vmem>>
      %dma_start3A_697 = arith.constant 0 : i32
      %dma_start3A_698 = arith.constant 0 : i32
      %dma_start3A_699 = tpu.memref_slice %arg2[%dma_start3A_697, %dma_start3A_698] : memref<2600000x64xf32, #tpu.memory_space<hbm>> -> memref<2600000x64xf32, #tpu.memory_space<hbm>>
      tpu.enqueue_indirect_dma source(%dma_start3A_699 : memref<2600000x64xf32, #tpu.memory_space<hbm>>) target(%dma_start3A_695 : memref<104x64xf32, #tpu.memory_space<vmem>>) offsets(%dma_start3A_696 : memref<104xi32, #tpu.memory_space<vmem>>) semaphore(%arg12 : memref<!tpu.dma_semaphore, #tpu.memory_space<semaphore_mem>>)
      %mul3A_700 = arith.constant 8 : i32
      %mul3A_701 = arith.muli %scan3A_443, %mul3A_700 : i32
      %add3A_702 = arith.constant 4 : i32
      %add3A_703 = arith.addi %mul3A_701, %add3A_702 : i32
      %mul3A_704 = arith.constant 104 : i32
      %mul3A_705 = arith.muli %add3A_703, %mul3A_704 : i32
      %multiple_of3A_706 = tpu.assume_multiple %mul3A_705, 8 : i32
      %dma_wait3A_707 = arith.constant 4 : i32
      %dma_wait3A_708 = arith.constant 0 : i32
      %dma_wait3A_709 = arith.constant 0 : i32
      %dma_wait3A_710 = tpu.memref_slice %arg8[%dma_wait3A_707, %dma_wait3A_708, %dma_wait3A_709] : memref<8x104x64xf32, #tpu.memory_space<vmem>> -> memref<1x104x64xf32, #tpu.memory_space<vmem>>
      %dma_wait3A_711 = tpu.memref_squeeze %dma_wait3A_710 : memref<1x104x64xf32, #tpu.memory_space<vmem>> -> memref<104x64xf32, #tpu.memory_space<vmem>>
      %dma_wait3A_712 = tpu.memref_slice %arg6[%multiple_of3A_706] : memref<3328xi32, #tpu.memory_space<vmem>> -> memref<104xi32, #tpu.memory_space<vmem>>
      %dma_wait3A_713 = arith.constant 0 : i32
      %dma_wait3A_714 = arith.constant 0 : i32
      %dma_wait3A_715 = tpu.memref_slice %arg2[%dma_wait3A_713, %dma_wait3A_714] : memref<2600000x64xf32, #tpu.memory_space<hbm>> -> memref<2600000x64xf32, #tpu.memory_space<hbm>>
      tpu.wait_indirect_dma semaphore(%arg13 : memref<!tpu.dma_semaphore, #tpu.memory_space<semaphore_mem>>) src(%dma_wait3A_715 : memref<2600000x64xf32, #tpu.memory_space<hbm>>) dst(%dma_wait3A_711 : memref<104x64xf32, #tpu.memory_space<vmem>>)
      %mul3A_716 = arith.constant 104 : i32
      %mul3A_717 = arith.muli %add3A_703, %mul3A_716 : i32
      %multiple_of3A_718 = tpu.assume_multiple %mul3A_717, 8 : i32
      %add3A_719 = arith.addi %mul3A_2, %multiple_of3A_718 : i32
      %dma_start3A_720 = arith.constant 4 : i32
      %dma_start3A_721 = arith.constant 0 : i32
      %dma_start3A_722 = arith.constant 0 : i32
      %dma_start3A_723 = tpu.memref_slice %arg8[%dma_start3A_720, %dma_start3A_721, %dma_start3A_722] : memref<8x104x64xf32, #tpu.memory_space<vmem>> -> memref<1x104x64xf32, #tpu.memory_space<vmem>>
      %dma_start3A_724 = tpu.memref_squeeze %dma_start3A_723 : memref<1x104x64xf32, #tpu.memory_space<vmem>> -> memref<104x64xf32, #tpu.memory_space<vmem>>
      %dma_start3A_725 = arith.constant 0 : i32
      %dma_start3A_726 = tpu.memref_slice %arg5[%add3A_719, %dma_start3A_725] : memref<106496x64xf32, #tpu.memory_space<hbm>> -> memref<104x64xf32, #tpu.memory_space<hbm>>
      %dma_start3A_727 = arith.constant 0 : i32
      %dma_start3A_728 = tpu.memref_slice %arg5[%add3A_719, %dma_start3A_727] : memref<106496x64xf32, #tpu.memory_space<hbm>> -> memref<104x64xf32, #tpu.memory_space<hbm>>
      %dma_start3A_729 = arith.constant 0 : i32
      %dma_start3A_730 = arith.constant 0 : i32
      %dma_start3A_731 = tpu.memref_slice %arg8[%dma_start3A_720, %dma_start3A_729, %dma_start3A_730] : memref<8x104x64xf32, #tpu.memory_space<vmem>> -> memref<1x104x64xf32, #tpu.memory_space<vmem>>
      %dma_start3A_732 = tpu.memref_squeeze %dma_start3A_731 : memref<1x104x64xf32, #tpu.memory_space<vmem>> -> memref<104x64xf32, #tpu.memory_space<vmem>>
      tpu.enqueue_dma source(%dma_start3A_732 : memref<104x64xf32, #tpu.memory_space<vmem>>) target(%dma_start3A_728 : memref<104x64xf32, #tpu.memory_space<hbm>>) target_semaphore(%arg13 : memref<!tpu.dma_semaphore, #tpu.memory_space<semaphore_mem>>)
      %mul3A_733 = arith.constant 104 : i32
      %mul3A_734 = arith.muli %add3A_703, %mul3A_733 : i32
      %multiple_of3A_735 = tpu.assume_multiple %mul3A_734, 8 : i32
      %add3A_736 = arith.addi %mul3A_2, %multiple_of3A_735 : i32
      %dma_wait3A_737 = arith.constant 4 : i32
      %dma_wait3A_738 = arith.constant 0 : i32
      %dma_wait3A_739 = arith.constant 0 : i32
      %dma_wait3A_740 = tpu.memref_slice %arg8[%dma_wait3A_737, %dma_wait3A_738, %dma_wait3A_739] : memref<8x104x64xf32, #tpu.memory_space<vmem>> -> memref<1x104x64xf32, #tpu.memory_space<vmem>>
      %dma_wait3A_741 = tpu.memref_squeeze %dma_wait3A_740 : memref<1x104x64xf32, #tpu.memory_space<vmem>> -> memref<104x64xf32, #tpu.memory_space<vmem>>
      %dma_wait3A_742 = arith.constant 0 : i32
      %dma_wait3A_743 = tpu.memref_slice %arg5[%add3A_736, %dma_wait3A_742] : memref<106496x64xf32, #tpu.memory_space<hbm>> -> memref<104x64xf32, #tpu.memory_space<hbm>>
      %dma_wait3A_744 = arith.constant 0 : i32
      %dma_wait3A_745 = tpu.memref_slice %arg5[%add3A_736, %dma_wait3A_744] : memref<106496x64xf32, #tpu.memory_space<hbm>> -> memref<104x64xf32, #tpu.memory_space<hbm>>
      %dma_wait3A_746 = arith.constant 0 : i32
      %dma_wait3A_747 = arith.constant 0 : i32
      %dma_wait3A_748 = tpu.memref_slice %arg8[%dma_wait3A_737, %dma_wait3A_746, %dma_wait3A_747] : memref<8x104x64xf32, #tpu.memory_space<vmem>> -> memref<1x104x64xf32, #tpu.memory_space<vmem>>
      %dma_wait3A_749 = tpu.memref_squeeze %dma_wait3A_748 : memref<1x104x64xf32, #tpu.memory_space<vmem>> -> memref<104x64xf32, #tpu.memory_space<vmem>>
      tpu.wait_dma2 semaphore(%arg13 : memref<!tpu.dma_semaphore, #tpu.memory_space<semaphore_mem>>) src(%dma_wait3A_749 : memref<104x64xf32, #tpu.memory_space<vmem>>) dst(%dma_wait3A_745 : memref<104x64xf32, #tpu.memory_space<hbm>>)
      %add3A_750 = arith.constant 8 : i32
      %add3A_751 = arith.addi %add3A_703, %add3A_750 : i32
      %mul3A_752 = arith.constant 104 : i32
      %mul3A_753 = arith.muli %add3A_751, %mul3A_752 : i32
      %multiple_of3A_754 = tpu.assume_multiple %mul3A_753, 8 : i32
      %dma_start3A_755 = arith.constant 4 : i32
      %dma_start3A_756 = arith.constant 0 : i32
      %dma_start3A_757 = arith.constant 0 : i32
      %dma_start3A_758 = tpu.memref_slice %arg8[%dma_start3A_755, %dma_start3A_756, %dma_start3A_757] : memref<8x104x64xf32, #tpu.memory_space<vmem>> -> memref<1x104x64xf32, #tpu.memory_space<vmem>>
      %dma_start3A_759 = tpu.memref_squeeze %dma_start3A_758 : memref<1x104x64xf32, #tpu.memory_space<vmem>> -> memref<104x64xf32, #tpu.memory_space<vmem>>
      %dma_start3A_760 = tpu.memref_slice %arg6[%multiple_of3A_754] : memref<3328xi32, #tpu.memory_space<vmem>> -> memref<104xi32, #tpu.memory_space<vmem>>
      %dma_start3A_761 = arith.constant 0 : i32
      %dma_start3A_762 = arith.constant 0 : i32
      %dma_start3A_763 = tpu.memref_slice %arg2[%dma_start3A_761, %dma_start3A_762] : memref<2600000x64xf32, #tpu.memory_space<hbm>> -> memref<2600000x64xf32, #tpu.memory_space<hbm>>
      tpu.enqueue_indirect_dma source(%dma_start3A_763 : memref<2600000x64xf32, #tpu.memory_space<hbm>>) target(%dma_start3A_759 : memref<104x64xf32, #tpu.memory_space<vmem>>) offsets(%dma_start3A_760 : memref<104xi32, #tpu.memory_space<vmem>>) semaphore(%arg13 : memref<!tpu.dma_semaphore, #tpu.memory_space<semaphore_mem>>)
      %mul3A_764 = arith.constant 8 : i32
      %mul3A_765 = arith.muli %scan3A_443, %mul3A_764 : i32
      %add3A_766 = arith.constant 5 : i32
      %add3A_767 = arith.addi %mul3A_765, %add3A_766 : i32
      %mul3A_768 = arith.constant 104 : i32
      %mul3A_769 = arith.muli %add3A_767, %mul3A_768 : i32
      %multiple_of3A_770 = tpu.assume_multiple %mul3A_769, 8 : i32
      %dma_wait3A_771 = arith.constant 5 : i32
      %dma_wait3A_772 = arith.constant 0 : i32
      %dma_wait3A_773 = arith.constant 0 : i32
      %dma_wait3A_774 = tpu.memref_slice %arg8[%dma_wait3A_771, %dma_wait3A_772, %dma_wait3A_773] : memref<8x104x64xf32, #tpu.memory_space<vmem>> -> memref<1x104x64xf32, #tpu.memory_space<vmem>>
      %dma_wait3A_775 = tpu.memref_squeeze %dma_wait3A_774 : memref<1x104x64xf32, #tpu.memory_space<vmem>> -> memref<104x64xf32, #tpu.memory_space<vmem>>
      %dma_wait3A_776 = tpu.memref_slice %arg6[%multiple_of3A_770] : memref<3328xi32, #tpu.memory_space<vmem>> -> memref<104xi32, #tpu.memory_space<vmem>>
      %dma_wait3A_777 = arith.constant 0 : i32
      %dma_wait3A_778 = arith.constant 0 : i32
      %dma_wait3A_779 = tpu.memref_slice %arg2[%dma_wait3A_777, %dma_wait3A_778] : memref<2600000x64xf32, #tpu.memory_space<hbm>> -> memref<2600000x64xf32, #tpu.memory_space<hbm>>
      tpu.wait_indirect_dma semaphore(%arg14 : memref<!tpu.dma_semaphore, #tpu.memory_space<semaphore_mem>>) src(%dma_wait3A_779 : memref<2600000x64xf32, #tpu.memory_space<hbm>>) dst(%dma_wait3A_775 : memref<104x64xf32, #tpu.memory_space<vmem>>)
      %mul3A_780 = arith.constant 104 : i32
      %mul3A_781 = arith.muli %add3A_767, %mul3A_780 : i32
      %multiple_of3A_782 = tpu.assume_multiple %mul3A_781, 8 : i32
      %add3A_783 = arith.addi %mul3A_2, %multiple_of3A_782 : i32
      %dma_start3A_784 = arith.constant 5 : i32
      %dma_start3A_785 = arith.constant 0 : i32
      %dma_start3A_786 = arith.constant 0 : i32
      %dma_start3A_787 = tpu.memref_slice %arg8[%dma_start3A_784, %dma_start3A_785, %dma_start3A_786] : memref<8x104x64xf32, #tpu.memory_space<vmem>> -> memref<1x104x64xf32, #tpu.memory_space<vmem>>
      %dma_start3A_788 = tpu.memref_squeeze %dma_start3A_787 : memref<1x104x64xf32, #tpu.memory_space<vmem>> -> memref<104x64xf32, #tpu.memory_space<vmem>>
      %dma_start3A_789 = arith.constant 0 : i32
      %dma_start3A_790 = tpu.memref_slice %arg5[%add3A_783, %dma_start3A_789] : memref<106496x64xf32, #tpu.memory_space<hbm>> -> memref<104x64xf32, #tpu.memory_space<hbm>>
      %dma_start3A_791 = arith.constant 0 : i32
      %dma_start3A_792 = tpu.memref_slice %arg5[%add3A_783, %dma_start3A_791] : memref<106496x64xf32, #tpu.memory_space<hbm>> -> memref<104x64xf32, #tpu.memory_space<hbm>>
      %dma_start3A_793 = arith.constant 0 : i32
      %dma_start3A_794 = arith.constant 0 : i32
      %dma_start3A_795 = tpu.memref_slice %arg8[%dma_start3A_784, %dma_start3A_793, %dma_start3A_794] : memref<8x104x64xf32, #tpu.memory_space<vmem>> -> memref<1x104x64xf32, #tpu.memory_space<vmem>>
      %dma_start3A_796 = tpu.memref_squeeze %dma_start3A_795 : memref<1x104x64xf32, #tpu.memory_space<vmem>> -> memref<104x64xf32, #tpu.memory_space<vmem>>
      tpu.enqueue_dma source(%dma_start3A_796 : memref<104x64xf32, #tpu.memory_space<vmem>>) target(%dma_start3A_792 : memref<104x64xf32, #tpu.memory_space<hbm>>) target_semaphore(%arg14 : memref<!tpu.dma_semaphore, #tpu.memory_space<semaphore_mem>>)
      %mul3A_797 = arith.constant 104 : i32
      %mul3A_798 = arith.muli %add3A_767, %mul3A_797 : i32
      %multiple_of3A_799 = tpu.assume_multiple %mul3A_798, 8 : i32
      %add3A_800 = arith.addi %mul3A_2, %multiple_of3A_799 : i32
      %dma_wait3A_801 = arith.constant 5 : i32
      %dma_wait3A_802 = arith.constant 0 : i32
      %dma_wait3A_803 = arith.constant 0 : i32
      %dma_wait3A_804 = tpu.memref_slice %arg8[%dma_wait3A_801, %dma_wait3A_802, %dma_wait3A_803] : memref<8x104x64xf32, #tpu.memory_space<vmem>> -> memref<1x104x64xf32, #tpu.memory_space<vmem>>
      %dma_wait3A_805 = tpu.memref_squeeze %dma_wait3A_804 : memref<1x104x64xf32, #tpu.memory_space<vmem>> -> memref<104x64xf32, #tpu.memory_space<vmem>>
      %dma_wait3A_806 = arith.constant 0 : i32
      %dma_wait3A_807 = tpu.memref_slice %arg5[%add3A_800, %dma_wait3A_806] : memref<106496x64xf32, #tpu.memory_space<hbm>> -> memref<104x64xf32, #tpu.memory_space<hbm>>
      %dma_wait3A_808 = arith.constant 0 : i32
      %dma_wait3A_809 = tpu.memref_slice %arg5[%add3A_800, %dma_wait3A_808] : memref<106496x64xf32, #tpu.memory_space<hbm>> -> memref<104x64xf32, #tpu.memory_space<hbm>>
      %dma_wait3A_810 = arith.constant 0 : i32
      %dma_wait3A_811 = arith.constant 0 : i32
      %dma_wait3A_812 = tpu.memref_slice %arg8[%dma_wait3A_801, %dma_wait3A_810, %dma_wait3A_811] : memref<8x104x64xf32, #tpu.memory_space<vmem>> -> memref<1x104x64xf32, #tpu.memory_space<vmem>>
      %dma_wait3A_813 = tpu.memref_squeeze %dma_wait3A_812 : memref<1x104x64xf32, #tpu.memory_space<vmem>> -> memref<104x64xf32, #tpu.memory_space<vmem>>
      tpu.wait_dma2 semaphore(%arg14 : memref<!tpu.dma_semaphore, #tpu.memory_space<semaphore_mem>>) src(%dma_wait3A_813 : memref<104x64xf32, #tpu.memory_space<vmem>>) dst(%dma_wait3A_809 : memref<104x64xf32, #tpu.memory_space<hbm>>)
      %add3A_814 = arith.constant 8 : i32
      %add3A_815 = arith.addi %add3A_767, %add3A_814 : i32
      %mul3A_816 = arith.constant 104 : i32
      %mul3A_817 = arith.muli %add3A_815, %mul3A_816 : i32
      %multiple_of3A_818 = tpu.assume_multiple %mul3A_817, 8 : i32
      %dma_start3A_819 = arith.constant 5 : i32
      %dma_start3A_820 = arith.constant 0 : i32
      %dma_start3A_821 = arith.constant 0 : i32
      %dma_start3A_822 = tpu.memref_slice %arg8[%dma_start3A_819, %dma_start3A_820, %dma_start3A_821] : memref<8x104x64xf32, #tpu.memory_space<vmem>> -> memref<1x104x64xf32, #tpu.memory_space<vmem>>
      %dma_start3A_823 = tpu.memref_squeeze %dma_start3A_822 : memref<1x104x64xf32, #tpu.memory_space<vmem>> -> memref<104x64xf32, #tpu.memory_space<vmem>>
      %dma_start3A_824 = tpu.memref_slice %arg6[%multiple_of3A_818] : memref<3328xi32, #tpu.memory_space<vmem>> -> memref<104xi32, #tpu.memory_space<vmem>>
      %dma_start3A_825 = arith.constant 0 : i32
      %dma_start3A_826 = arith.constant 0 : i32
      %dma_start3A_827 = tpu.memref_slice %arg2[%dma_start3A_825, %dma_start3A_826] : memref<2600000x64xf32, #tpu.memory_space<hbm>> -> memref<2600000x64xf32, #tpu.memory_space<hbm>>
      tpu.enqueue_indirect_dma source(%dma_start3A_827 : memref<2600000x64xf32, #tpu.memory_space<hbm>>) target(%dma_start3A_823 : memref<104x64xf32, #tpu.memory_space<vmem>>) offsets(%dma_start3A_824 : memref<104xi32, #tpu.memory_space<vmem>>) semaphore(%arg14 : memref<!tpu.dma_semaphore, #tpu.memory_space<semaphore_mem>>)
      %mul3A_828 = arith.constant 8 : i32
      %mul3A_829 = arith.muli %scan3A_443, %mul3A_828 : i32
      %add3A_830 = arith.constant 6 : i32
      %add3A_831 = arith.addi %mul3A_829, %add3A_830 : i32
      %mul3A_832 = arith.constant 104 : i32
      %mul3A_833 = arith.muli %add3A_831, %mul3A_832 : i32
      %multiple_of3A_834 = tpu.assume_multiple %mul3A_833, 8 : i32
      %dma_wait3A_835 = arith.constant 6 : i32
      %dma_wait3A_836 = arith.constant 0 : i32
      %dma_wait3A_837 = arith.constant 0 : i32
      %dma_wait3A_838 = tpu.memref_slice %arg8[%dma_wait3A_835, %dma_wait3A_836, %dma_wait3A_837] : memref<8x104x64xf32, #tpu.memory_space<vmem>> -> memref<1x104x64xf32, #tpu.memory_space<vmem>>
      %dma_wait3A_839 = tpu.memref_squeeze %dma_wait3A_838 : memref<1x104x64xf32, #tpu.memory_space<vmem>> -> memref<104x64xf32, #tpu.memory_space<vmem>>
      %dma_wait3A_840 = tpu.memref_slice %arg6[%multiple_of3A_834] : memref<3328xi32, #tpu.memory_space<vmem>> -> memref<104xi32, #tpu.memory_space<vmem>>
      %dma_wait3A_841 = arith.constant 0 : i32
      %dma_wait3A_842 = arith.constant 0 : i32
      %dma_wait3A_843 = tpu.memref_slice %arg2[%dma_wait3A_841, %dma_wait3A_842] : memref<2600000x64xf32, #tpu.memory_space<hbm>> -> memref<2600000x64xf32, #tpu.memory_space<hbm>>
      tpu.wait_indirect_dma semaphore(%arg15 : memref<!tpu.dma_semaphore, #tpu.memory_space<semaphore_mem>>) src(%dma_wait3A_843 : memref<2600000x64xf32, #tpu.memory_space<hbm>>) dst(%dma_wait3A_839 : memref<104x64xf32, #tpu.memory_space<vmem>>)
      %mul3A_844 = arith.constant 104 : i32
      %mul3A_845 = arith.muli %add3A_831, %mul3A_844 : i32
      %multiple_of3A_846 = tpu.assume_multiple %mul3A_845, 8 : i32
      %add3A_847 = arith.addi %mul3A_2, %multiple_of3A_846 : i32
      %dma_start3A_848 = arith.constant 6 : i32
      %dma_start3A_849 = arith.constant 0 : i32
      %dma_start3A_850 = arith.constant 0 : i32
      %dma_start3A_851 = tpu.memref_slice %arg8[%dma_start3A_848, %dma_start3A_849, %dma_start3A_850] : memref<8x104x64xf32, #tpu.memory_space<vmem>> -> memref<1x104x64xf32, #tpu.memory_space<vmem>>
      %dma_start3A_852 = tpu.memref_squeeze %dma_start3A_851 : memref<1x104x64xf32, #tpu.memory_space<vmem>> -> memref<104x64xf32, #tpu.memory_space<vmem>>
      %dma_start3A_853 = arith.constant 0 : i32
      %dma_start3A_854 = tpu.memref_slice %arg5[%add3A_847, %dma_start3A_853] : memref<106496x64xf32, #tpu.memory_space<hbm>> -> memref<104x64xf32, #tpu.memory_space<hbm>>
      %dma_start3A_855 = arith.constant 0 : i32
      %dma_start3A_856 = tpu.memref_slice %arg5[%add3A_847, %dma_start3A_855] : memref<106496x64xf32, #tpu.memory_space<hbm>> -> memref<104x64xf32, #tpu.memory_space<hbm>>
      %dma_start3A_857 = arith.constant 0 : i32
      %dma_start3A_858 = arith.constant 0 : i32
      %dma_start3A_859 = tpu.memref_slice %arg8[%dma_start3A_848, %dma_start3A_857, %dma_start3A_858] : memref<8x104x64xf32, #tpu.memory_space<vmem>> -> memref<1x104x64xf32, #tpu.memory_space<vmem>>
      %dma_start3A_860 = tpu.memref_squeeze %dma_start3A_859 : memref<1x104x64xf32, #tpu.memory_space<vmem>> -> memref<104x64xf32, #tpu.memory_space<vmem>>
      tpu.enqueue_dma source(%dma_start3A_860 : memref<104x64xf32, #tpu.memory_space<vmem>>) target(%dma_start3A_856 : memref<104x64xf32, #tpu.memory_space<hbm>>) target_semaphore(%arg15 : memref<!tpu.dma_semaphore, #tpu.memory_space<semaphore_mem>>)
      %mul3A_861 = arith.constant 104 : i32
      %mul3A_862 = arith.muli %add3A_831, %mul3A_861 : i32
      %multiple_of3A_863 = tpu.assume_multiple %mul3A_862, 8 : i32
      %add3A_864 = arith.addi %mul3A_2, %multiple_of3A_863 : i32
      %dma_wait3A_865 = arith.constant 6 : i32
      %dma_wait3A_866 = arith.constant 0 : i32
      %dma_wait3A_867 = arith.constant 0 : i32
      %dma_wait3A_868 = tpu.memref_slice %arg8[%dma_wait3A_865, %dma_wait3A_866, %dma_wait3A_867] : memref<8x104x64xf32, #tpu.memory_space<vmem>> -> memref<1x104x64xf32, #tpu.memory_space<vmem>>
      %dma_wait3A_869 = tpu.memref_squeeze %dma_wait3A_868 : memref<1x104x64xf32, #tpu.memory_space<vmem>> -> memref<104x64xf32, #tpu.memory_space<vmem>>
      %dma_wait3A_870 = arith.constant 0 : i32
      %dma_wait3A_871 = tpu.memref_slice %arg5[%add3A_864, %dma_wait3A_870] : memref<106496x64xf32, #tpu.memory_space<hbm>> -> memref<104x64xf32, #tpu.memory_space<hbm>>
      %dma_wait3A_872 = arith.constant 0 : i32
      %dma_wait3A_873 = tpu.memref_slice %arg5[%add3A_864, %dma_wait3A_872] : memref<106496x64xf32, #tpu.memory_space<hbm>> -> memref<104x64xf32, #tpu.memory_space<hbm>>
      %dma_wait3A_874 = arith.constant 0 : i32
      %dma_wait3A_875 = arith.constant 0 : i32
      %dma_wait3A_876 = tpu.memref_slice %arg8[%dma_wait3A_865, %dma_wait3A_874, %dma_wait3A_875] : memref<8x104x64xf32, #tpu.memory_space<vmem>> -> memref<1x104x64xf32, #tpu.memory_space<vmem>>
      %dma_wait3A_877 = tpu.memref_squeeze %dma_wait3A_876 : memref<1x104x64xf32, #tpu.memory_space<vmem>> -> memref<104x64xf32, #tpu.memory_space<vmem>>
      tpu.wait_dma2 semaphore(%arg15 : memref<!tpu.dma_semaphore, #tpu.memory_space<semaphore_mem>>) src(%dma_wait3A_877 : memref<104x64xf32, #tpu.memory_space<vmem>>) dst(%dma_wait3A_873 : memref<104x64xf32, #tpu.memory_space<hbm>>)
      %add3A_878 = arith.constant 8 : i32
      %add3A_879 = arith.addi %add3A_831, %add3A_878 : i32
      %mul3A_880 = arith.constant 104 : i32
      %mul3A_881 = arith.muli %add3A_879, %mul3A_880 : i32
      %multiple_of3A_882 = tpu.assume_multiple %mul3A_881, 8 : i32
      %dma_start3A_883 = arith.constant 6 : i32
      %dma_start3A_884 = arith.constant 0 : i32
      %dma_start3A_885 = arith.constant 0 : i32
      %dma_start3A_886 = tpu.memref_slice %arg8[%dma_start3A_883, %dma_start3A_884, %dma_start3A_885] : memref<8x104x64xf32, #tpu.memory_space<vmem>> -> memref<1x104x64xf32, #tpu.memory_space<vmem>>
      %dma_start3A_887 = tpu.memref_squeeze %dma_start3A_886 : memref<1x104x64xf32, #tpu.memory_space<vmem>> -> memref<104x64xf32, #tpu.memory_space<vmem>>
      %dma_start3A_888 = tpu.memref_slice %arg6[%multiple_of3A_882] : memref<3328xi32, #tpu.memory_space<vmem>> -> memref<104xi32, #tpu.memory_space<vmem>>
      %dma_start3A_889 = arith.constant 0 : i32
      %dma_start3A_890 = arith.constant 0 : i32
      %dma_start3A_891 = tpu.memref_slice %arg2[%dma_start3A_889, %dma_start3A_890] : memref<2600000x64xf32, #tpu.memory_space<hbm>> -> memref<2600000x64xf32, #tpu.memory_space<hbm>>
      tpu.enqueue_indirect_dma source(%dma_start3A_891 : memref<2600000x64xf32, #tpu.memory_space<hbm>>) target(%dma_start3A_887 : memref<104x64xf32, #tpu.memory_space<vmem>>) offsets(%dma_start3A_888 : memref<104xi32, #tpu.memory_space<vmem>>) semaphore(%arg15 : memref<!tpu.dma_semaphore, #tpu.memory_space<semaphore_mem>>)
      %mul3A_892 = arith.constant 8 : i32
      %mul3A_893 = arith.muli %scan3A_443, %mul3A_892 : i32
      %add3A_894 = arith.constant 7 : i32
      %add3A_895 = arith.addi %mul3A_893, %add3A_894 : i32
      %mul3A_896 = arith.constant 104 : i32
      %mul3A_897 = arith.muli %add3A_895, %mul3A_896 : i32
      %multiple_of3A_898 = tpu.assume_multiple %mul3A_897, 8 : i32
      %dma_wait3A_899 = arith.constant 7 : i32
      %dma_wait3A_900 = arith.constant 0 : i32
      %dma_wait3A_901 = arith.constant 0 : i32
      %dma_wait3A_902 = tpu.memref_slice %arg8[%dma_wait3A_899, %dma_wait3A_900, %dma_wait3A_901] : memref<8x104x64xf32, #tpu.memory_space<vmem>> -> memref<1x104x64xf32, #tpu.memory_space<vmem>>
      %dma_wait3A_903 = tpu.memref_squeeze %dma_wait3A_902 : memref<1x104x64xf32, #tpu.memory_space<vmem>> -> memref<104x64xf32, #tpu.memory_space<vmem>>
      %dma_wait3A_904 = tpu.memref_slice %arg6[%multiple_of3A_898] : memref<3328xi32, #tpu.memory_space<vmem>> -> memref<104xi32, #tpu.memory_space<vmem>>
      %dma_wait3A_905 = arith.constant 0 : i32
      %dma_wait3A_906 = arith.constant 0 : i32
      %dma_wait3A_907 = tpu.memref_slice %arg2[%dma_wait3A_905, %dma_wait3A_906] : memref<2600000x64xf32, #tpu.memory_space<hbm>> -> memref<2600000x64xf32, #tpu.memory_space<hbm>>
      tpu.wait_indirect_dma semaphore(%arg16 : memref<!tpu.dma_semaphore, #tpu.memory_space<semaphore_mem>>) src(%dma_wait3A_907 : memref<2600000x64xf32, #tpu.memory_space<hbm>>) dst(%dma_wait3A_903 : memref<104x64xf32, #tpu.memory_space<vmem>>)
      %mul3A_908 = arith.constant 104 : i32
      %mul3A_909 = arith.muli %add3A_895, %mul3A_908 : i32
      %multiple_of3A_910 = tpu.assume_multiple %mul3A_909, 8 : i32
      %add3A_911 = arith.addi %mul3A_2, %multiple_of3A_910 : i32
      %dma_start3A_912 = arith.constant 7 : i32
      %dma_start3A_913 = arith.constant 0 : i32
      %dma_start3A_914 = arith.constant 0 : i32
      %dma_start3A_915 = tpu.memref_slice %arg8[%dma_start3A_912, %dma_start3A_913, %dma_start3A_914] : memref<8x104x64xf32, #tpu.memory_space<vmem>> -> memref<1x104x64xf32, #tpu.memory_space<vmem>>
      %dma_start3A_916 = tpu.memref_squeeze %dma_start3A_915 : memref<1x104x64xf32, #tpu.memory_space<vmem>> -> memref<104x64xf32, #tpu.memory_space<vmem>>
      %dma_start3A_917 = arith.constant 0 : i32
      %dma_start3A_918 = tpu.memref_slice %arg5[%add3A_911, %dma_start3A_917] : memref<106496x64xf32, #tpu.memory_space<hbm>> -> memref<104x64xf32, #tpu.memory_space<hbm>>
      %dma_start3A_919 = arith.constant 0 : i32
      %dma_start3A_920 = tpu.memref_slice %arg5[%add3A_911, %dma_start3A_919] : memref<106496x64xf32, #tpu.memory_space<hbm>> -> memref<104x64xf32, #tpu.memory_space<hbm>>
      %dma_start3A_921 = arith.constant 0 : i32
      %dma_start3A_922 = arith.constant 0 : i32
      %dma_start3A_923 = tpu.memref_slice %arg8[%dma_start3A_912, %dma_start3A_921, %dma_start3A_922] : memref<8x104x64xf32, #tpu.memory_space<vmem>> -> memref<1x104x64xf32, #tpu.memory_space<vmem>>
      %dma_start3A_924 = tpu.memref_squeeze %dma_start3A_923 : memref<1x104x64xf32, #tpu.memory_space<vmem>> -> memref<104x64xf32, #tpu.memory_space<vmem>>
      tpu.enqueue_dma source(%dma_start3A_924 : memref<104x64xf32, #tpu.memory_space<vmem>>) target(%dma_start3A_920 : memref<104x64xf32, #tpu.memory_space<hbm>>) target_semaphore(%arg16 : memref<!tpu.dma_semaphore, #tpu.memory_space<semaphore_mem>>)
      %mul3A_925 = arith.constant 104 : i32
      %mul3A_926 = arith.muli %add3A_895, %mul3A_925 : i32
      %multiple_of3A_927 = tpu.assume_multiple %mul3A_926, 8 : i32
      %add3A_928 = arith.addi %mul3A_2, %multiple_of3A_927 : i32
      %dma_wait3A_929 = arith.constant 7 : i32
      %dma_wait3A_930 = arith.constant 0 : i32
      %dma_wait3A_931 = arith.constant 0 : i32
      %dma_wait3A_932 = tpu.memref_slice %arg8[%dma_wait3A_929, %dma_wait3A_930, %dma_wait3A_931] : memref<8x104x64xf32, #tpu.memory_space<vmem>> -> memref<1x104x64xf32, #tpu.memory_space<vmem>>
      %dma_wait3A_933 = tpu.memref_squeeze %dma_wait3A_932 : memref<1x104x64xf32, #tpu.memory_space<vmem>> -> memref<104x64xf32, #tpu.memory_space<vmem>>
      %dma_wait3A_934 = arith.constant 0 : i32
      %dma_wait3A_935 = tpu.memref_slice %arg5[%add3A_928, %dma_wait3A_934] : memref<106496x64xf32, #tpu.memory_space<hbm>> -> memref<104x64xf32, #tpu.memory_space<hbm>>
      %dma_wait3A_936 = arith.constant 0 : i32
      %dma_wait3A_937 = tpu.memref_slice %arg5[%add3A_928, %dma_wait3A_936] : memref<106496x64xf32, #tpu.memory_space<hbm>> -> memref<104x64xf32, #tpu.memory_space<hbm>>
      %dma_wait3A_938 = arith.constant 0 : i32
      %dma_wait3A_939 = arith.constant 0 : i32
      %dma_wait3A_940 = tpu.memref_slice %arg8[%dma_wait3A_929, %dma_wait3A_938, %dma_wait3A_939] : memref<8x104x64xf32, #tpu.memory_space<vmem>> -> memref<1x104x64xf32, #tpu.memory_space<vmem>>
      %dma_wait3A_941 = tpu.memref_squeeze %dma_wait3A_940 : memref<1x104x64xf32, #tpu.memory_space<vmem>> -> memref<104x64xf32, #tpu.memory_space<vmem>>
      tpu.wait_dma2 semaphore(%arg16 : memref<!tpu.dma_semaphore, #tpu.memory_space<semaphore_mem>>) src(%dma_wait3A_941 : memref<104x64xf32, #tpu.memory_space<vmem>>) dst(%dma_wait3A_937 : memref<104x64xf32, #tpu.memory_space<hbm>>)
      %add3A_942 = arith.constant 8 : i32
      %add3A_943 = arith.addi %add3A_895, %add3A_942 : i32
      %mul3A_944 = arith.constant 104 : i32
      %mul3A_945 = arith.muli %add3A_943, %mul3A_944 : i32
      %multiple_of3A_946 = tpu.assume_multiple %mul3A_945, 8 : i32
      %dma_start3A_947 = arith.constant 7 : i32
      %dma_start3A_948 = arith.constant 0 : i32
      %dma_start3A_949 = arith.constant 0 : i32
      %dma_start3A_950 = tpu.memref_slice %arg8[%dma_start3A_947, %dma_start3A_948, %dma_start3A_949] : memref<8x104x64xf32, #tpu.memory_space<vmem>> -> memref<1x104x64xf32, #tpu.memory_space<vmem>>
      %dma_start3A_951 = tpu.memref_squeeze %dma_start3A_950 : memref<1x104x64xf32, #tpu.memory_space<vmem>> -> memref<104x64xf32, #tpu.memory_space<vmem>>
      %dma_start3A_952 = tpu.memref_slice %arg6[%multiple_of3A_946] : memref<3328xi32, #tpu.memory_space<vmem>> -> memref<104xi32, #tpu.memory_space<vmem>>
      %dma_start3A_953 = arith.constant 0 : i32
      %dma_start3A_954 = arith.constant 0 : i32
      %dma_start3A_955 = tpu.memref_slice %arg2[%dma_start3A_953, %dma_start3A_954] : memref<2600000x64xf32, #tpu.memory_space<hbm>> -> memref<2600000x64xf32, #tpu.memory_space<hbm>>
      tpu.enqueue_indirect_dma source(%dma_start3A_955 : memref<2600000x64xf32, #tpu.memory_space<hbm>>) target(%dma_start3A_951 : memref<104x64xf32, #tpu.memory_space<vmem>>) offsets(%dma_start3A_952 : memref<104xi32, #tpu.memory_space<vmem>>) semaphore(%arg16 : memref<!tpu.dma_semaphore, #tpu.memory_space<semaphore_mem>>)
    }
    %scan3A_99 = arith.constant 3 : i32
    %multiple_of3A_100 = arith.constant 2496 : i32
    %multiple_of3A_101 = tpu.assume_multiple %multiple_of3A_100, 8 : i32
    %dma_wait3A = arith.constant 0 : i32
    %dma_wait3A_102 = arith.constant 0 : i32
    %dma_wait3A_103 = arith.constant 0 : i32
    %dma_wait3A_104 = tpu.memref_slice %arg8[%dma_wait3A, %dma_wait3A_102, %dma_wait3A_103] : memref<8x104x64xf32, #tpu.memory_space<vmem>> -> memref<1x104x64xf32, #tpu.memory_space<vmem>>
    %dma_wait3A_105 = tpu.memref_squeeze %dma_wait3A_104 : memref<1x104x64xf32, #tpu.memory_space<vmem>> -> memref<104x64xf32, #tpu.memory_space<vmem>>
    %dma_wait3A_106 = tpu.memref_slice %arg6[%multiple_of3A_101] : memref<3328xi32, #tpu.memory_space<vmem>> -> memref<104xi32, #tpu.memory_space<vmem>>
    %dma_wait3A_107 = arith.constant 0 : i32
    %dma_wait3A_108 = arith.constant 0 : i32
    %dma_wait3A_109 = tpu.memref_slice %arg2[%dma_wait3A_107, %dma_wait3A_108] : memref<2600000x64xf32, #tpu.memory_space<hbm>> -> memref<2600000x64xf32, #tpu.memory_space<hbm>>
    tpu.wait_indirect_dma semaphore(%arg9 : memref<!tpu.dma_semaphore, #tpu.memory_space<semaphore_mem>>) src(%dma_wait3A_109 : memref<2600000x64xf32, #tpu.memory_space<hbm>>) dst(%dma_wait3A_105 : memref<104x64xf32, #tpu.memory_space<vmem>>)
    %multiple_of3A_110 = arith.constant 2496 : i32
    %multiple_of3A_111 = tpu.assume_multiple %multiple_of3A_110, 8 : i32
    %add3A_112 = arith.addi %mul3A_2, %multiple_of3A_111 : i32
    %dma_start3A_113 = arith.constant 0 : i32
    %dma_start3A_114 = arith.constant 0 : i32
    %dma_start3A_115 = arith.constant 0 : i32
    %dma_start3A_116 = tpu.memref_slice %arg8[%dma_start3A_113, %dma_start3A_114, %dma_start3A_115] : memref<8x104x64xf32, #tpu.memory_space<vmem>> -> memref<1x104x64xf32, #tpu.memory_space<vmem>>
    %dma_start3A_117 = tpu.memref_squeeze %dma_start3A_116 : memref<1x104x64xf32, #tpu.memory_space<vmem>> -> memref<104x64xf32, #tpu.memory_space<vmem>>
    %dma_start3A_118 = arith.constant 0 : i32
    %dma_start3A_119 = tpu.memref_slice %arg5[%add3A_112, %dma_start3A_118] : memref<106496x64xf32, #tpu.memory_space<hbm>> -> memref<104x64xf32, #tpu.memory_space<hbm>>
    %dma_start3A_120 = arith.constant 0 : i32
    %dma_start3A_121 = tpu.memref_slice %arg5[%add3A_112, %dma_start3A_120] : memref<106496x64xf32, #tpu.memory_space<hbm>> -> memref<104x64xf32, #tpu.memory_space<hbm>>
    %dma_start3A_122 = arith.constant 0 : i32
    %dma_start3A_123 = arith.constant 0 : i32
    %dma_start3A_124 = tpu.memref_slice %arg8[%dma_start3A_113, %dma_start3A_122, %dma_start3A_123] : memref<8x104x64xf32, #tpu.memory_space<vmem>> -> memref<1x104x64xf32, #tpu.memory_space<vmem>>
    %dma_start3A_125 = tpu.memref_squeeze %dma_start3A_124 : memref<1x104x64xf32, #tpu.memory_space<vmem>> -> memref<104x64xf32, #tpu.memory_space<vmem>>
    tpu.enqueue_dma source(%dma_start3A_125 : memref<104x64xf32, #tpu.memory_space<vmem>>) target(%dma_start3A_121 : memref<104x64xf32, #tpu.memory_space<hbm>>) target_semaphore(%arg9 : memref<!tpu.dma_semaphore, #tpu.memory_space<semaphore_mem>>)
    %multiple_of3A_126 = arith.constant 2496 : i32
    %multiple_of3A_127 = tpu.assume_multiple %multiple_of3A_126, 8 : i32
    %add3A_128 = arith.addi %mul3A_2, %multiple_of3A_127 : i32
    %dma_wait3A_129 = arith.constant 0 : i32
    %dma_wait3A_130 = arith.constant 0 : i32
    %dma_wait3A_131 = arith.constant 0 : i32
    %dma_wait3A_132 = tpu.memref_slice %arg8[%dma_wait3A_129, %dma_wait3A_130, %dma_wait3A_131] : memref<8x104x64xf32, #tpu.memory_space<vmem>> -> memref<1x104x64xf32, #tpu.memory_space<vmem>>
    %dma_wait3A_133 = tpu.memref_squeeze %dma_wait3A_132 : memref<1x104x64xf32, #tpu.memory_space<vmem>> -> memref<104x64xf32, #tpu.memory_space<vmem>>
    %dma_wait3A_134 = arith.constant 0 : i32
    %dma_wait3A_135 = tpu.memref_slice %arg5[%add3A_128, %dma_wait3A_134] : memref<106496x64xf32, #tpu.memory_space<hbm>> -> memref<104x64xf32, #tpu.memory_space<hbm>>
    %dma_wait3A_136 = arith.constant 0 : i32
    %dma_wait3A_137 = tpu.memref_slice %arg5[%add3A_128, %dma_wait3A_136] : memref<106496x64xf32, #tpu.memory_space<hbm>> -> memref<104x64xf32, #tpu.memory_space<hbm>>
    %dma_wait3A_138 = arith.constant 0 : i32
    %dma_wait3A_139 = arith.constant 0 : i32
    %dma_wait3A_140 = tpu.memref_slice %arg8[%dma_wait3A_129, %dma_wait3A_138, %dma_wait3A_139] : memref<8x104x64xf32, #tpu.memory_space<vmem>> -> memref<1x104x64xf32, #tpu.memory_space<vmem>>
    %dma_wait3A_141 = tpu.memref_squeeze %dma_wait3A_140 : memref<1x104x64xf32, #tpu.memory_space<vmem>> -> memref<104x64xf32, #tpu.memory_space<vmem>>
    tpu.wait_dma2 semaphore(%arg9 : memref<!tpu.dma_semaphore, #tpu.memory_space<semaphore_mem>>) src(%dma_wait3A_141 : memref<104x64xf32, #tpu.memory_space<vmem>>) dst(%dma_wait3A_137 : memref<104x64xf32, #tpu.memory_space<hbm>>)
    %multiple_of3A_142 = arith.constant 2600 : i32
    %multiple_of3A_143 = tpu.assume_multiple %multiple_of3A_142, 8 : i32
    %dma_wait3A_144 = arith.constant 1 : i32
    %dma_wait3A_145 = arith.constant 0 : i32
    %dma_wait3A_146 = arith.constant 0 : i32
    %dma_wait3A_147 = tpu.memref_slice %arg8[%dma_wait3A_144, %dma_wait3A_145, %dma_wait3A_146] : memref<8x104x64xf32, #tpu.memory_space<vmem>> -> memref<1x104x64xf32, #tpu.memory_space<vmem>>
    %dma_wait3A_148 = tpu.memref_squeeze %dma_wait3A_147 : memref<1x104x64xf32, #tpu.memory_space<vmem>> -> memref<104x64xf32, #tpu.memory_space<vmem>>
    %dma_wait3A_149 = tpu.memref_slice %arg6[%multiple_of3A_143] : memref<3328xi32, #tpu.memory_space<vmem>> -> memref<104xi32, #tpu.memory_space<vmem>>
    %dma_wait3A_150 = arith.constant 0 : i32
    %dma_wait3A_151 = arith.constant 0 : i32
    %dma_wait3A_152 = tpu.memref_slice %arg2[%dma_wait3A_150, %dma_wait3A_151] : memref<2600000x64xf32, #tpu.memory_space<hbm>> -> memref<2600000x64xf32, #tpu.memory_space<hbm>>
    tpu.wait_indirect_dma semaphore(%arg10 : memref<!tpu.dma_semaphore, #tpu.memory_space<semaphore_mem>>) src(%dma_wait3A_152 : memref<2600000x64xf32, #tpu.memory_space<hbm>>) dst(%dma_wait3A_148 : memref<104x64xf32, #tpu.memory_space<vmem>>)
    %multiple_of3A_153 = arith.constant 2600 : i32
    %multiple_of3A_154 = tpu.assume_multiple %multiple_of3A_153, 8 : i32
    %add3A_155 = arith.addi %mul3A_2, %multiple_of3A_154 : i32
    %dma_start3A_156 = arith.constant 1 : i32
    %dma_start3A_157 = arith.constant 0 : i32
    %dma_start3A_158 = arith.constant 0 : i32
    %dma_start3A_159 = tpu.memref_slice %arg8[%dma_start3A_156, %dma_start3A_157, %dma_start3A_158] : memref<8x104x64xf32, #tpu.memory_space<vmem>> -> memref<1x104x64xf32, #tpu.memory_space<vmem>>
    %dma_start3A_160 = tpu.memref_squeeze %dma_start3A_159 : memref<1x104x64xf32, #tpu.memory_space<vmem>> -> memref<104x64xf32, #tpu.memory_space<vmem>>
    %dma_start3A_161 = arith.constant 0 : i32
    %dma_start3A_162 = tpu.memref_slice %arg5[%add3A_155, %dma_start3A_161] : memref<106496x64xf32, #tpu.memory_space<hbm>> -> memref<104x64xf32, #tpu.memory_space<hbm>>
    %dma_start3A_163 = arith.constant 0 : i32
    %dma_start3A_164 = tpu.memref_slice %arg5[%add3A_155, %dma_start3A_163] : memref<106496x64xf32, #tpu.memory_space<hbm>> -> memref<104x64xf32, #tpu.memory_space<hbm>>
    %dma_start3A_165 = arith.constant 0 : i32
    %dma_start3A_166 = arith.constant 0 : i32
    %dma_start3A_167 = tpu.memref_slice %arg8[%dma_start3A_156, %dma_start3A_165, %dma_start3A_166] : memref<8x104x64xf32, #tpu.memory_space<vmem>> -> memref<1x104x64xf32, #tpu.memory_space<vmem>>
    %dma_start3A_168 = tpu.memref_squeeze %dma_start3A_167 : memref<1x104x64xf32, #tpu.memory_space<vmem>> -> memref<104x64xf32, #tpu.memory_space<vmem>>
    tpu.enqueue_dma source(%dma_start3A_168 : memref<104x64xf32, #tpu.memory_space<vmem>>) target(%dma_start3A_164 : memref<104x64xf32, #tpu.memory_space<hbm>>) target_semaphore(%arg10 : memref<!tpu.dma_semaphore, #tpu.memory_space<semaphore_mem>>)
    %multiple_of3A_169 = arith.constant 2600 : i32
    %multiple_of3A_170 = tpu.assume_multiple %multiple_of3A_169, 8 : i32
    %add3A_171 = arith.addi %mul3A_2, %multiple_of3A_170 : i32
    %dma_wait3A_172 = arith.constant 1 : i32
    %dma_wait3A_173 = arith.constant 0 : i32
    %dma_wait3A_174 = arith.constant 0 : i32
    %dma_wait3A_175 = tpu.memref_slice %arg8[%dma_wait3A_172, %dma_wait3A_173, %dma_wait3A_174] : memref<8x104x64xf32, #tpu.memory_space<vmem>> -> memref<1x104x64xf32, #tpu.memory_space<vmem>>
    %dma_wait3A_176 = tpu.memref_squeeze %dma_wait3A_175 : memref<1x104x64xf32, #tpu.memory_space<vmem>> -> memref<104x64xf32, #tpu.memory_space<vmem>>
    %dma_wait3A_177 = arith.constant 0 : i32
    %dma_wait3A_178 = tpu.memref_slice %arg5[%add3A_171, %dma_wait3A_177] : memref<106496x64xf32, #tpu.memory_space<hbm>> -> memref<104x64xf32, #tpu.memory_space<hbm>>
    %dma_wait3A_179 = arith.constant 0 : i32
    %dma_wait3A_180 = tpu.memref_slice %arg5[%add3A_171, %dma_wait3A_179] : memref<106496x64xf32, #tpu.memory_space<hbm>> -> memref<104x64xf32, #tpu.memory_space<hbm>>
    %dma_wait3A_181 = arith.constant 0 : i32
    %dma_wait3A_182 = arith.constant 0 : i32
    %dma_wait3A_183 = tpu.memref_slice %arg8[%dma_wait3A_172, %dma_wait3A_181, %dma_wait3A_182] : memref<8x104x64xf32, #tpu.memory_space<vmem>> -> memref<1x104x64xf32, #tpu.memory_space<vmem>>
    %dma_wait3A_184 = tpu.memref_squeeze %dma_wait3A_183 : memref<1x104x64xf32, #tpu.memory_space<vmem>> -> memref<104x64xf32, #tpu.memory_space<vmem>>
    tpu.wait_dma2 semaphore(%arg10 : memref<!tpu.dma_semaphore, #tpu.memory_space<semaphore_mem>>) src(%dma_wait3A_184 : memref<104x64xf32, #tpu.memory_space<vmem>>) dst(%dma_wait3A_180 : memref<104x64xf32, #tpu.memory_space<hbm>>)
    %multiple_of3A_185 = arith.constant 2704 : i32
    %multiple_of3A_186 = tpu.assume_multiple %multiple_of3A_185, 8 : i32
    %dma_wait3A_187 = arith.constant 2 : i32
    %dma_wait3A_188 = arith.constant 0 : i32
    %dma_wait3A_189 = arith.constant 0 : i32
    %dma_wait3A_190 = tpu.memref_slice %arg8[%dma_wait3A_187, %dma_wait3A_188, %dma_wait3A_189] : memref<8x104x64xf32, #tpu.memory_space<vmem>> -> memref<1x104x64xf32, #tpu.memory_space<vmem>>
    %dma_wait3A_191 = tpu.memref_squeeze %dma_wait3A_190 : memref<1x104x64xf32, #tpu.memory_space<vmem>> -> memref<104x64xf32, #tpu.memory_space<vmem>>
    %dma_wait3A_192 = tpu.memref_slice %arg6[%multiple_of3A_186] : memref<3328xi32, #tpu.memory_space<vmem>> -> memref<104xi32, #tpu.memory_space<vmem>>
    %dma_wait3A_193 = arith.constant 0 : i32
    %dma_wait3A_194 = arith.constant 0 : i32
    %dma_wait3A_195 = tpu.memref_slice %arg2[%dma_wait3A_193, %dma_wait3A_194] : memref<2600000x64xf32, #tpu.memory_space<hbm>> -> memref<2600000x64xf32, #tpu.memory_space<hbm>>
    tpu.wait_indirect_dma semaphore(%arg11 : memref<!tpu.dma_semaphore, #tpu.memory_space<semaphore_mem>>) src(%dma_wait3A_195 : memref<2600000x64xf32, #tpu.memory_space<hbm>>) dst(%dma_wait3A_191 : memref<104x64xf32, #tpu.memory_space<vmem>>)
    %multiple_of3A_196 = arith.constant 2704 : i32
    %multiple_of3A_197 = tpu.assume_multiple %multiple_of3A_196, 8 : i32
    %add3A_198 = arith.addi %mul3A_2, %multiple_of3A_197 : i32
    %dma_start3A_199 = arith.constant 2 : i32
    %dma_start3A_200 = arith.constant 0 : i32
    %dma_start3A_201 = arith.constant 0 : i32
    %dma_start3A_202 = tpu.memref_slice %arg8[%dma_start3A_199, %dma_start3A_200, %dma_start3A_201] : memref<8x104x64xf32, #tpu.memory_space<vmem>> -> memref<1x104x64xf32, #tpu.memory_space<vmem>>
    %dma_start3A_203 = tpu.memref_squeeze %dma_start3A_202 : memref<1x104x64xf32, #tpu.memory_space<vmem>> -> memref<104x64xf32, #tpu.memory_space<vmem>>
    %dma_start3A_204 = arith.constant 0 : i32
    %dma_start3A_205 = tpu.memref_slice %arg5[%add3A_198, %dma_start3A_204] : memref<106496x64xf32, #tpu.memory_space<hbm>> -> memref<104x64xf32, #tpu.memory_space<hbm>>
    %dma_start3A_206 = arith.constant 0 : i32
    %dma_start3A_207 = tpu.memref_slice %arg5[%add3A_198, %dma_start3A_206] : memref<106496x64xf32, #tpu.memory_space<hbm>> -> memref<104x64xf32, #tpu.memory_space<hbm>>
    %dma_start3A_208 = arith.constant 0 : i32
    %dma_start3A_209 = arith.constant 0 : i32
    %dma_start3A_210 = tpu.memref_slice %arg8[%dma_start3A_199, %dma_start3A_208, %dma_start3A_209] : memref<8x104x64xf32, #tpu.memory_space<vmem>> -> memref<1x104x64xf32, #tpu.memory_space<vmem>>
    %dma_start3A_211 = tpu.memref_squeeze %dma_start3A_210 : memref<1x104x64xf32, #tpu.memory_space<vmem>> -> memref<104x64xf32, #tpu.memory_space<vmem>>
    tpu.enqueue_dma source(%dma_start3A_211 : memref<104x64xf32, #tpu.memory_space<vmem>>) target(%dma_start3A_207 : memref<104x64xf32, #tpu.memory_space<hbm>>) target_semaphore(%arg11 : memref<!tpu.dma_semaphore, #tpu.memory_space<semaphore_mem>>)
    %multiple_of3A_212 = arith.constant 2704 : i32
    %multiple_of3A_213 = tpu.assume_multiple %multiple_of3A_212, 8 : i32
    %add3A_214 = arith.addi %mul3A_2, %multiple_of3A_213 : i32
    %dma_wait3A_215 = arith.constant 2 : i32
    %dma_wait3A_216 = arith.constant 0 : i32
    %dma_wait3A_217 = arith.constant 0 : i32
    %dma_wait3A_218 = tpu.memref_slice %arg8[%dma_wait3A_215, %dma_wait3A_216, %dma_wait3A_217] : memref<8x104x64xf32, #tpu.memory_space<vmem>> -> memref<1x104x64xf32, #tpu.memory_space<vmem>>
    %dma_wait3A_219 = tpu.memref_squeeze %dma_wait3A_218 : memref<1x104x64xf32, #tpu.memory_space<vmem>> -> memref<104x64xf32, #tpu.memory_space<vmem>>
    %dma_wait3A_220 = arith.constant 0 : i32
    %dma_wait3A_221 = tpu.memref_slice %arg5[%add3A_214, %dma_wait3A_220] : memref<106496x64xf32, #tpu.memory_space<hbm>> -> memref<104x64xf32, #tpu.memory_space<hbm>>
    %dma_wait3A_222 = arith.constant 0 : i32
    %dma_wait3A_223 = tpu.memref_slice %arg5[%add3A_214, %dma_wait3A_222] : memref<106496x64xf32, #tpu.memory_space<hbm>> -> memref<104x64xf32, #tpu.memory_space<hbm>>
    %dma_wait3A_224 = arith.constant 0 : i32
    %dma_wait3A_225 = arith.constant 0 : i32
    %dma_wait3A_226 = tpu.memref_slice %arg8[%dma_wait3A_215, %dma_wait3A_224, %dma_wait3A_225] : memref<8x104x64xf32, #tpu.memory_space<vmem>> -> memref<1x104x64xf32, #tpu.memory_space<vmem>>
    %dma_wait3A_227 = tpu.memref_squeeze %dma_wait3A_226 : memref<1x104x64xf32, #tpu.memory_space<vmem>> -> memref<104x64xf32, #tpu.memory_space<vmem>>
    tpu.wait_dma2 semaphore(%arg11 : memref<!tpu.dma_semaphore, #tpu.memory_space<semaphore_mem>>) src(%dma_wait3A_227 : memref<104x64xf32, #tpu.memory_space<vmem>>) dst(%dma_wait3A_223 : memref<104x64xf32, #tpu.memory_space<hbm>>)
    %multiple_of3A_228 = arith.constant 2808 : i32
    %multiple_of3A_229 = tpu.assume_multiple %multiple_of3A_228, 8 : i32
    %dma_wait3A_230 = arith.constant 3 : i32
    %dma_wait3A_231 = arith.constant 0 : i32
    %dma_wait3A_232 = arith.constant 0 : i32
    %dma_wait3A_233 = tpu.memref_slice %arg8[%dma_wait3A_230, %dma_wait3A_231, %dma_wait3A_232] : memref<8x104x64xf32, #tpu.memory_space<vmem>> -> memref<1x104x64xf32, #tpu.memory_space<vmem>>
    %dma_wait3A_234 = tpu.memref_squeeze %dma_wait3A_233 : memref<1x104x64xf32, #tpu.memory_space<vmem>> -> memref<104x64xf32, #tpu.memory_space<vmem>>
    %dma_wait3A_235 = tpu.memref_slice %arg6[%multiple_of3A_229] : memref<3328xi32, #tpu.memory_space<vmem>> -> memref<104xi32, #tpu.memory_space<vmem>>
    %dma_wait3A_236 = arith.constant 0 : i32
    %dma_wait3A_237 = arith.constant 0 : i32
    %dma_wait3A_238 = tpu.memref_slice %arg2[%dma_wait3A_236, %dma_wait3A_237] : memref<2600000x64xf32, #tpu.memory_space<hbm>> -> memref<2600000x64xf32, #tpu.memory_space<hbm>>
    tpu.wait_indirect_dma semaphore(%arg12 : memref<!tpu.dma_semaphore, #tpu.memory_space<semaphore_mem>>) src(%dma_wait3A_238 : memref<2600000x64xf32, #tpu.memory_space<hbm>>) dst(%dma_wait3A_234 : memref<104x64xf32, #tpu.memory_space<vmem>>)
    %multiple_of3A_239 = arith.constant 2808 : i32
    %multiple_of3A_240 = tpu.assume_multiple %multiple_of3A_239, 8 : i32
    %add3A_241 = arith.addi %mul3A_2, %multiple_of3A_240 : i32
    %dma_start3A_242 = arith.constant 3 : i32
    %dma_start3A_243 = arith.constant 0 : i32
    %dma_start3A_244 = arith.constant 0 : i32
    %dma_start3A_245 = tpu.memref_slice %arg8[%dma_start3A_242, %dma_start3A_243, %dma_start3A_244] : memref<8x104x64xf32, #tpu.memory_space<vmem>> -> memref<1x104x64xf32, #tpu.memory_space<vmem>>
    %dma_start3A_246 = tpu.memref_squeeze %dma_start3A_245 : memref<1x104x64xf32, #tpu.memory_space<vmem>> -> memref<104x64xf32, #tpu.memory_space<vmem>>
    %dma_start3A_247 = arith.constant 0 : i32
    %dma_start3A_248 = tpu.memref_slice %arg5[%add3A_241, %dma_start3A_247] : memref<106496x64xf32, #tpu.memory_space<hbm>> -> memref<104x64xf32, #tpu.memory_space<hbm>>
    %dma_start3A_249 = arith.constant 0 : i32
    %dma_start3A_250 = tpu.memref_slice %arg5[%add3A_241, %dma_start3A_249] : memref<106496x64xf32, #tpu.memory_space<hbm>> -> memref<104x64xf32, #tpu.memory_space<hbm>>
    %dma_start3A_251 = arith.constant 0 : i32
    %dma_start3A_252 = arith.constant 0 : i32
    %dma_start3A_253 = tpu.memref_slice %arg8[%dma_start3A_242, %dma_start3A_251, %dma_start3A_252] : memref<8x104x64xf32, #tpu.memory_space<vmem>> -> memref<1x104x64xf32, #tpu.memory_space<vmem>>
    %dma_start3A_254 = tpu.memref_squeeze %dma_start3A_253 : memref<1x104x64xf32, #tpu.memory_space<vmem>> -> memref<104x64xf32, #tpu.memory_space<vmem>>
    tpu.enqueue_dma source(%dma_start3A_254 : memref<104x64xf32, #tpu.memory_space<vmem>>) target(%dma_start3A_250 : memref<104x64xf32, #tpu.memory_space<hbm>>) target_semaphore(%arg12 : memref<!tpu.dma_semaphore, #tpu.memory_space<semaphore_mem>>)
    %multiple_of3A_255 = arith.constant 2808 : i32
    %multiple_of3A_256 = tpu.assume_multiple %multiple_of3A_255, 8 : i32
    %add3A_257 = arith.addi %mul3A_2, %multiple_of3A_256 : i32
    %dma_wait3A_258 = arith.constant 3 : i32
    %dma_wait3A_259 = arith.constant 0 : i32
    %dma_wait3A_260 = arith.constant 0 : i32
    %dma_wait3A_261 = tpu.memref_slice %arg8[%dma_wait3A_258, %dma_wait3A_259, %dma_wait3A_260] : memref<8x104x64xf32, #tpu.memory_space<vmem>> -> memref<1x104x64xf32, #tpu.memory_space<vmem>>
    %dma_wait3A_262 = tpu.memref_squeeze %dma_wait3A_261 : memref<1x104x64xf32, #tpu.memory_space<vmem>> -> memref<104x64xf32, #tpu.memory_space<vmem>>
    %dma_wait3A_263 = arith.constant 0 : i32
    %dma_wait3A_264 = tpu.memref_slice %arg5[%add3A_257, %dma_wait3A_263] : memref<106496x64xf32, #tpu.memory_space<hbm>> -> memref<104x64xf32, #tpu.memory_space<hbm>>
    %dma_wait3A_265 = arith.constant 0 : i32
    %dma_wait3A_266 = tpu.memref_slice %arg5[%add3A_257, %dma_wait3A_265] : memref<106496x64xf32, #tpu.memory_space<hbm>> -> memref<104x64xf32, #tpu.memory_space<hbm>>
    %dma_wait3A_267 = arith.constant 0 : i32
    %dma_wait3A_268 = arith.constant 0 : i32
    %dma_wait3A_269 = tpu.memref_slice %arg8[%dma_wait3A_258, %dma_wait3A_267, %dma_wait3A_268] : memref<8x104x64xf32, #tpu.memory_space<vmem>> -> memref<1x104x64xf32, #tpu.memory_space<vmem>>
    %dma_wait3A_270 = tpu.memref_squeeze %dma_wait3A_269 : memref<1x104x64xf32, #tpu.memory_space<vmem>> -> memref<104x64xf32, #tpu.memory_space<vmem>>
    tpu.wait_dma2 semaphore(%arg12 : memref<!tpu.dma_semaphore, #tpu.memory_space<semaphore_mem>>) src(%dma_wait3A_270 : memref<104x64xf32, #tpu.memory_space<vmem>>) dst(%dma_wait3A_266 : memref<104x64xf32, #tpu.memory_space<hbm>>)
    %multiple_of3A_271 = arith.constant 2912 : i32
    %multiple_of3A_272 = tpu.assume_multiple %multiple_of3A_271, 8 : i32
    %dma_wait3A_273 = arith.constant 4 : i32
    %dma_wait3A_274 = arith.constant 0 : i32
    %dma_wait3A_275 = arith.constant 0 : i32
    %dma_wait3A_276 = tpu.memref_slice %arg8[%dma_wait3A_273, %dma_wait3A_274, %dma_wait3A_275] : memref<8x104x64xf32, #tpu.memory_space<vmem>> -> memref<1x104x64xf32, #tpu.memory_space<vmem>>
    %dma_wait3A_277 = tpu.memref_squeeze %dma_wait3A_276 : memref<1x104x64xf32, #tpu.memory_space<vmem>> -> memref<104x64xf32, #tpu.memory_space<vmem>>
    %dma_wait3A_278 = tpu.memref_slice %arg6[%multiple_of3A_272] : memref<3328xi32, #tpu.memory_space<vmem>> -> memref<104xi32, #tpu.memory_space<vmem>>
    %dma_wait3A_279 = arith.constant 0 : i32
    %dma_wait3A_280 = arith.constant 0 : i32
    %dma_wait3A_281 = tpu.memref_slice %arg2[%dma_wait3A_279, %dma_wait3A_280] : memref<2600000x64xf32, #tpu.memory_space<hbm>> -> memref<2600000x64xf32, #tpu.memory_space<hbm>>
    tpu.wait_indirect_dma semaphore(%arg13 : memref<!tpu.dma_semaphore, #tpu.memory_space<semaphore_mem>>) src(%dma_wait3A_281 : memref<2600000x64xf32, #tpu.memory_space<hbm>>) dst(%dma_wait3A_277 : memref<104x64xf32, #tpu.memory_space<vmem>>)
    %multiple_of3A_282 = arith.constant 2912 : i32
    %multiple_of3A_283 = tpu.assume_multiple %multiple_of3A_282, 8 : i32
    %add3A_284 = arith.addi %mul3A_2, %multiple_of3A_283 : i32
    %dma_start3A_285 = arith.constant 4 : i32
    %dma_start3A_286 = arith.constant 0 : i32
    %dma_start3A_287 = arith.constant 0 : i32
    %dma_start3A_288 = tpu.memref_slice %arg8[%dma_start3A_285, %dma_start3A_286, %dma_start3A_287] : memref<8x104x64xf32, #tpu.memory_space<vmem>> -> memref<1x104x64xf32, #tpu.memory_space<vmem>>
    %dma_start3A_289 = tpu.memref_squeeze %dma_start3A_288 : memref<1x104x64xf32, #tpu.memory_space<vmem>> -> memref<104x64xf32, #tpu.memory_space<vmem>>
    %dma_start3A_290 = arith.constant 0 : i32
    %dma_start3A_291 = tpu.memref_slice %arg5[%add3A_284, %dma_start3A_290] : memref<106496x64xf32, #tpu.memory_space<hbm>> -> memref<104x64xf32, #tpu.memory_space<hbm>>
    %dma_start3A_292 = arith.constant 0 : i32
    %dma_start3A_293 = tpu.memref_slice %arg5[%add3A_284, %dma_start3A_292] : memref<106496x64xf32, #tpu.memory_space<hbm>> -> memref<104x64xf32, #tpu.memory_space<hbm>>
    %dma_start3A_294 = arith.constant 0 : i32
    %dma_start3A_295 = arith.constant 0 : i32
    %dma_start3A_296 = tpu.memref_slice %arg8[%dma_start3A_285, %dma_start3A_294, %dma_start3A_295] : memref<8x104x64xf32, #tpu.memory_space<vmem>> -> memref<1x104x64xf32, #tpu.memory_space<vmem>>
    %dma_start3A_297 = tpu.memref_squeeze %dma_start3A_296 : memref<1x104x64xf32, #tpu.memory_space<vmem>> -> memref<104x64xf32, #tpu.memory_space<vmem>>
    tpu.enqueue_dma source(%dma_start3A_297 : memref<104x64xf32, #tpu.memory_space<vmem>>) target(%dma_start3A_293 : memref<104x64xf32, #tpu.memory_space<hbm>>) target_semaphore(%arg13 : memref<!tpu.dma_semaphore, #tpu.memory_space<semaphore_mem>>)
    %multiple_of3A_298 = arith.constant 2912 : i32
    %multiple_of3A_299 = tpu.assume_multiple %multiple_of3A_298, 8 : i32
    %add3A_300 = arith.addi %mul3A_2, %multiple_of3A_299 : i32
    %dma_wait3A_301 = arith.constant 4 : i32
    %dma_wait3A_302 = arith.constant 0 : i32
    %dma_wait3A_303 = arith.constant 0 : i32
    %dma_wait3A_304 = tpu.memref_slice %arg8[%dma_wait3A_301, %dma_wait3A_302, %dma_wait3A_303] : memref<8x104x64xf32, #tpu.memory_space<vmem>> -> memref<1x104x64xf32, #tpu.memory_space<vmem>>
    %dma_wait3A_305 = tpu.memref_squeeze %dma_wait3A_304 : memref<1x104x64xf32, #tpu.memory_space<vmem>> -> memref<104x64xf32, #tpu.memory_space<vmem>>
    %dma_wait3A_306 = arith.constant 0 : i32
    %dma_wait3A_307 = tpu.memref_slice %arg5[%add3A_300, %dma_wait3A_306] : memref<106496x64xf32, #tpu.memory_space<hbm>> -> memref<104x64xf32, #tpu.memory_space<hbm>>
    %dma_wait3A_308 = arith.constant 0 : i32
    %dma_wait3A_309 = tpu.memref_slice %arg5[%add3A_300, %dma_wait3A_308] : memref<106496x64xf32, #tpu.memory_space<hbm>> -> memref<104x64xf32, #tpu.memory_space<hbm>>
    %dma_wait3A_310 = arith.constant 0 : i32
    %dma_wait3A_311 = arith.constant 0 : i32
    %dma_wait3A_312 = tpu.memref_slice %arg8[%dma_wait3A_301, %dma_wait3A_310, %dma_wait3A_311] : memref<8x104x64xf32, #tpu.memory_space<vmem>> -> memref<1x104x64xf32, #tpu.memory_space<vmem>>
    %dma_wait3A_313 = tpu.memref_squeeze %dma_wait3A_312 : memref<1x104x64xf32, #tpu.memory_space<vmem>> -> memref<104x64xf32, #tpu.memory_space<vmem>>
    tpu.wait_dma2 semaphore(%arg13 : memref<!tpu.dma_semaphore, #tpu.memory_space<semaphore_mem>>) src(%dma_wait3A_313 : memref<104x64xf32, #tpu.memory_space<vmem>>) dst(%dma_wait3A_309 : memref<104x64xf32, #tpu.memory_space<hbm>>)
    %multiple_of3A_314 = arith.constant 3016 : i32
    %multiple_of3A_315 = tpu.assume_multiple %multiple_of3A_314, 8 : i32
    %dma_wait3A_316 = arith.constant 5 : i32
    %dma_wait3A_317 = arith.constant 0 : i32
    %dma_wait3A_318 = arith.constant 0 : i32
    %dma_wait3A_319 = tpu.memref_slice %arg8[%dma_wait3A_316, %dma_wait3A_317, %dma_wait3A_318] : memref<8x104x64xf32, #tpu.memory_space<vmem>> -> memref<1x104x64xf32, #tpu.memory_space<vmem>>
    %dma_wait3A_320 = tpu.memref_squeeze %dma_wait3A_319 : memref<1x104x64xf32, #tpu.memory_space<vmem>> -> memref<104x64xf32, #tpu.memory_space<vmem>>
    %dma_wait3A_321 = tpu.memref_slice %arg6[%multiple_of3A_315] : memref<3328xi32, #tpu.memory_space<vmem>> -> memref<104xi32, #tpu.memory_space<vmem>>
    %dma_wait3A_322 = arith.constant 0 : i32
    %dma_wait3A_323 = arith.constant 0 : i32
    %dma_wait3A_324 = tpu.memref_slice %arg2[%dma_wait3A_322, %dma_wait3A_323] : memref<2600000x64xf32, #tpu.memory_space<hbm>> -> memref<2600000x64xf32, #tpu.memory_space<hbm>>
    tpu.wait_indirect_dma semaphore(%arg14 : memref<!tpu.dma_semaphore, #tpu.memory_space<semaphore_mem>>) src(%dma_wait3A_324 : memref<2600000x64xf32, #tpu.memory_space<hbm>>) dst(%dma_wait3A_320 : memref<104x64xf32, #tpu.memory_space<vmem>>)
    %multiple_of3A_325 = arith.constant 3016 : i32
    %multiple_of3A_326 = tpu.assume_multiple %multiple_of3A_325, 8 : i32
    %add3A_327 = arith.addi %mul3A_2, %multiple_of3A_326 : i32
    %dma_start3A_328 = arith.constant 5 : i32
    %dma_start3A_329 = arith.constant 0 : i32
    %dma_start3A_330 = arith.constant 0 : i32
    %dma_start3A_331 = tpu.memref_slice %arg8[%dma_start3A_328, %dma_start3A_329, %dma_start3A_330] : memref<8x104x64xf32, #tpu.memory_space<vmem>> -> memref<1x104x64xf32, #tpu.memory_space<vmem>>
    %dma_start3A_332 = tpu.memref_squeeze %dma_start3A_331 : memref<1x104x64xf32, #tpu.memory_space<vmem>> -> memref<104x64xf32, #tpu.memory_space<vmem>>
    %dma_start3A_333 = arith.constant 0 : i32
    %dma_start3A_334 = tpu.memref_slice %arg5[%add3A_327, %dma_start3A_333] : memref<106496x64xf32, #tpu.memory_space<hbm>> -> memref<104x64xf32, #tpu.memory_space<hbm>>
    %dma_start3A_335 = arith.constant 0 : i32
    %dma_start3A_336 = tpu.memref_slice %arg5[%add3A_327, %dma_start3A_335] : memref<106496x64xf32, #tpu.memory_space<hbm>> -> memref<104x64xf32, #tpu.memory_space<hbm>>
    %dma_start3A_337 = arith.constant 0 : i32
    %dma_start3A_338 = arith.constant 0 : i32
    %dma_start3A_339 = tpu.memref_slice %arg8[%dma_start3A_328, %dma_start3A_337, %dma_start3A_338] : memref<8x104x64xf32, #tpu.memory_space<vmem>> -> memref<1x104x64xf32, #tpu.memory_space<vmem>>
    %dma_start3A_340 = tpu.memref_squeeze %dma_start3A_339 : memref<1x104x64xf32, #tpu.memory_space<vmem>> -> memref<104x64xf32, #tpu.memory_space<vmem>>
    tpu.enqueue_dma source(%dma_start3A_340 : memref<104x64xf32, #tpu.memory_space<vmem>>) target(%dma_start3A_336 : memref<104x64xf32, #tpu.memory_space<hbm>>) target_semaphore(%arg14 : memref<!tpu.dma_semaphore, #tpu.memory_space<semaphore_mem>>)
    %multiple_of3A_341 = arith.constant 3016 : i32
    %multiple_of3A_342 = tpu.assume_multiple %multiple_of3A_341, 8 : i32
    %add3A_343 = arith.addi %mul3A_2, %multiple_of3A_342 : i32
    %dma_wait3A_344 = arith.constant 5 : i32
    %dma_wait3A_345 = arith.constant 0 : i32
    %dma_wait3A_346 = arith.constant 0 : i32
    %dma_wait3A_347 = tpu.memref_slice %arg8[%dma_wait3A_344, %dma_wait3A_345, %dma_wait3A_346] : memref<8x104x64xf32, #tpu.memory_space<vmem>> -> memref<1x104x64xf32, #tpu.memory_space<vmem>>
    %dma_wait3A_348 = tpu.memref_squeeze %dma_wait3A_347 : memref<1x104x64xf32, #tpu.memory_space<vmem>> -> memref<104x64xf32, #tpu.memory_space<vmem>>
    %dma_wait3A_349 = arith.constant 0 : i32
    %dma_wait3A_350 = tpu.memref_slice %arg5[%add3A_343, %dma_wait3A_349] : memref<106496x64xf32, #tpu.memory_space<hbm>> -> memref<104x64xf32, #tpu.memory_space<hbm>>
    %dma_wait3A_351 = arith.constant 0 : i32
    %dma_wait3A_352 = tpu.memref_slice %arg5[%add3A_343, %dma_wait3A_351] : memref<106496x64xf32, #tpu.memory_space<hbm>> -> memref<104x64xf32, #tpu.memory_space<hbm>>
    %dma_wait3A_353 = arith.constant 0 : i32
    %dma_wait3A_354 = arith.constant 0 : i32
    %dma_wait3A_355 = tpu.memref_slice %arg8[%dma_wait3A_344, %dma_wait3A_353, %dma_wait3A_354] : memref<8x104x64xf32, #tpu.memory_space<vmem>> -> memref<1x104x64xf32, #tpu.memory_space<vmem>>
    %dma_wait3A_356 = tpu.memref_squeeze %dma_wait3A_355 : memref<1x104x64xf32, #tpu.memory_space<vmem>> -> memref<104x64xf32, #tpu.memory_space<vmem>>
    tpu.wait_dma2 semaphore(%arg14 : memref<!tpu.dma_semaphore, #tpu.memory_space<semaphore_mem>>) src(%dma_wait3A_356 : memref<104x64xf32, #tpu.memory_space<vmem>>) dst(%dma_wait3A_352 : memref<104x64xf32, #tpu.memory_space<hbm>>)
    %multiple_of3A_357 = arith.constant 3120 : i32
    %multiple_of3A_358 = tpu.assume_multiple %multiple_of3A_357, 8 : i32
    %dma_wait3A_359 = arith.constant 6 : i32
    %dma_wait3A_360 = arith.constant 0 : i32
    %dma_wait3A_361 = arith.constant 0 : i32
    %dma_wait3A_362 = tpu.memref_slice %arg8[%dma_wait3A_359, %dma_wait3A_360, %dma_wait3A_361] : memref<8x104x64xf32, #tpu.memory_space<vmem>> -> memref<1x104x64xf32, #tpu.memory_space<vmem>>
    %dma_wait3A_363 = tpu.memref_squeeze %dma_wait3A_362 : memref<1x104x64xf32, #tpu.memory_space<vmem>> -> memref<104x64xf32, #tpu.memory_space<vmem>>
    %dma_wait3A_364 = tpu.memref_slice %arg6[%multiple_of3A_358] : memref<3328xi32, #tpu.memory_space<vmem>> -> memref<104xi32, #tpu.memory_space<vmem>>
    %dma_wait3A_365 = arith.constant 0 : i32
    %dma_wait3A_366 = arith.constant 0 : i32
    %dma_wait3A_367 = tpu.memref_slice %arg2[%dma_wait3A_365, %dma_wait3A_366] : memref<2600000x64xf32, #tpu.memory_space<hbm>> -> memref<2600000x64xf32, #tpu.memory_space<hbm>>
    tpu.wait_indirect_dma semaphore(%arg15 : memref<!tpu.dma_semaphore, #tpu.memory_space<semaphore_mem>>) src(%dma_wait3A_367 : memref<2600000x64xf32, #tpu.memory_space<hbm>>) dst(%dma_wait3A_363 : memref<104x64xf32, #tpu.memory_space<vmem>>)
    %multiple_of3A_368 = arith.constant 3120 : i32
    %multiple_of3A_369 = tpu.assume_multiple %multiple_of3A_368, 8 : i32
    %add3A_370 = arith.addi %mul3A_2, %multiple_of3A_369 : i32
    %dma_start3A_371 = arith.constant 6 : i32
    %dma_start3A_372 = arith.constant 0 : i32
    %dma_start3A_373 = arith.constant 0 : i32
    %dma_start3A_374 = tpu.memref_slice %arg8[%dma_start3A_371, %dma_start3A_372, %dma_start3A_373] : memref<8x104x64xf32, #tpu.memory_space<vmem>> -> memref<1x104x64xf32, #tpu.memory_space<vmem>>
    %dma_start3A_375 = tpu.memref_squeeze %dma_start3A_374 : memref<1x104x64xf32, #tpu.memory_space<vmem>> -> memref<104x64xf32, #tpu.memory_space<vmem>>
    %dma_start3A_376 = arith.constant 0 : i32
    %dma_start3A_377 = tpu.memref_slice %arg5[%add3A_370, %dma_start3A_376] : memref<106496x64xf32, #tpu.memory_space<hbm>> -> memref<104x64xf32, #tpu.memory_space<hbm>>
    %dma_start3A_378 = arith.constant 0 : i32
    %dma_start3A_379 = tpu.memref_slice %arg5[%add3A_370, %dma_start3A_378] : memref<106496x64xf32, #tpu.memory_space<hbm>> -> memref<104x64xf32, #tpu.memory_space<hbm>>
    %dma_start3A_380 = arith.constant 0 : i32
    %dma_start3A_381 = arith.constant 0 : i32
    %dma_start3A_382 = tpu.memref_slice %arg8[%dma_start3A_371, %dma_start3A_380, %dma_start3A_381] : memref<8x104x64xf32, #tpu.memory_space<vmem>> -> memref<1x104x64xf32, #tpu.memory_space<vmem>>
    %dma_start3A_383 = tpu.memref_squeeze %dma_start3A_382 : memref<1x104x64xf32, #tpu.memory_space<vmem>> -> memref<104x64xf32, #tpu.memory_space<vmem>>
    tpu.enqueue_dma source(%dma_start3A_383 : memref<104x64xf32, #tpu.memory_space<vmem>>) target(%dma_start3A_379 : memref<104x64xf32, #tpu.memory_space<hbm>>) target_semaphore(%arg15 : memref<!tpu.dma_semaphore, #tpu.memory_space<semaphore_mem>>)
    %multiple_of3A_384 = arith.constant 3120 : i32
    %multiple_of3A_385 = tpu.assume_multiple %multiple_of3A_384, 8 : i32
    %add3A_386 = arith.addi %mul3A_2, %multiple_of3A_385 : i32
    %dma_wait3A_387 = arith.constant 6 : i32
    %dma_wait3A_388 = arith.constant 0 : i32
    %dma_wait3A_389 = arith.constant 0 : i32
    %dma_wait3A_390 = tpu.memref_slice %arg8[%dma_wait3A_387, %dma_wait3A_388, %dma_wait3A_389] : memref<8x104x64xf32, #tpu.memory_space<vmem>> -> memref<1x104x64xf32, #tpu.memory_space<vmem>>
    %dma_wait3A_391 = tpu.memref_squeeze %dma_wait3A_390 : memref<1x104x64xf32, #tpu.memory_space<vmem>> -> memref<104x64xf32, #tpu.memory_space<vmem>>
    %dma_wait3A_392 = arith.constant 0 : i32
    %dma_wait3A_393 = tpu.memref_slice %arg5[%add3A_386, %dma_wait3A_392] : memref<106496x64xf32, #tpu.memory_space<hbm>> -> memref<104x64xf32, #tpu.memory_space<hbm>>
    %dma_wait3A_394 = arith.constant 0 : i32
    %dma_wait3A_395 = tpu.memref_slice %arg5[%add3A_386, %dma_wait3A_394] : memref<106496x64xf32, #tpu.memory_space<hbm>> -> memref<104x64xf32, #tpu.memory_space<hbm>>
    %dma_wait3A_396 = arith.constant 0 : i32
    %dma_wait3A_397 = arith.constant 0 : i32
    %dma_wait3A_398 = tpu.memref_slice %arg8[%dma_wait3A_387, %dma_wait3A_396, %dma_wait3A_397] : memref<8x104x64xf32, #tpu.memory_space<vmem>> -> memref<1x104x64xf32, #tpu.memory_space<vmem>>
    %dma_wait3A_399 = tpu.memref_squeeze %dma_wait3A_398 : memref<1x104x64xf32, #tpu.memory_space<vmem>> -> memref<104x64xf32, #tpu.memory_space<vmem>>
    tpu.wait_dma2 semaphore(%arg15 : memref<!tpu.dma_semaphore, #tpu.memory_space<semaphore_mem>>) src(%dma_wait3A_399 : memref<104x64xf32, #tpu.memory_space<vmem>>) dst(%dma_wait3A_395 : memref<104x64xf32, #tpu.memory_space<hbm>>)
    %multiple_of3A_400 = arith.constant 3224 : i32
    %multiple_of3A_401 = tpu.assume_multiple %multiple_of3A_400, 8 : i32
    %dma_wait3A_402 = arith.constant 7 : i32
    %dma_wait3A_403 = arith.constant 0 : i32
    %dma_wait3A_404 = arith.constant 0 : i32
    %dma_wait3A_405 = tpu.memref_slice %arg8[%dma_wait3A_402, %dma_wait3A_403, %dma_wait3A_404] : memref<8x104x64xf32, #tpu.memory_space<vmem>> -> memref<1x104x64xf32, #tpu.memory_space<vmem>>
    %dma_wait3A_406 = tpu.memref_squeeze %dma_wait3A_405 : memref<1x104x64xf32, #tpu.memory_space<vmem>> -> memref<104x64xf32, #tpu.memory_space<vmem>>
    %dma_wait3A_407 = tpu.memref_slice %arg6[%multiple_of3A_401] : memref<3328xi32, #tpu.memory_space<vmem>> -> memref<104xi32, #tpu.memory_space<vmem>>
    %dma_wait3A_408 = arith.constant 0 : i32
    %dma_wait3A_409 = arith.constant 0 : i32
    %dma_wait3A_410 = tpu.memref_slice %arg2[%dma_wait3A_408, %dma_wait3A_409] : memref<2600000x64xf32, #tpu.memory_space<hbm>> -> memref<2600000x64xf32, #tpu.memory_space<hbm>>
    tpu.wait_indirect_dma semaphore(%arg16 : memref<!tpu.dma_semaphore, #tpu.memory_space<semaphore_mem>>) src(%dma_wait3A_410 : memref<2600000x64xf32, #tpu.memory_space<hbm>>) dst(%dma_wait3A_406 : memref<104x64xf32, #tpu.memory_space<vmem>>)
    %multiple_of3A_411 = arith.constant 3224 : i32
    %multiple_of3A_412 = tpu.assume_multiple %multiple_of3A_411, 8 : i32
    %add3A_413 = arith.addi %mul3A_2, %multiple_of3A_412 : i32
    %dma_start3A_414 = arith.constant 7 : i32
    %dma_start3A_415 = arith.constant 0 : i32
    %dma_start3A_416 = arith.constant 0 : i32
    %dma_start3A_417 = tpu.memref_slice %arg8[%dma_start3A_414, %dma_start3A_415, %dma_start3A_416] : memref<8x104x64xf32, #tpu.memory_space<vmem>> -> memref<1x104x64xf32, #tpu.memory_space<vmem>>
    %dma_start3A_418 = tpu.memref_squeeze %dma_start3A_417 : memref<1x104x64xf32, #tpu.memory_space<vmem>> -> memref<104x64xf32, #tpu.memory_space<vmem>>
    %dma_start3A_419 = arith.constant 0 : i32
    %dma_start3A_420 = tpu.memref_slice %arg5[%add3A_413, %dma_start3A_419] : memref<106496x64xf32, #tpu.memory_space<hbm>> -> memref<104x64xf32, #tpu.memory_space<hbm>>
    %dma_start3A_421 = arith.constant 0 : i32
    %dma_start3A_422 = tpu.memref_slice %arg5[%add3A_413, %dma_start3A_421] : memref<106496x64xf32, #tpu.memory_space<hbm>> -> memref<104x64xf32, #tpu.memory_space<hbm>>
    %dma_start3A_423 = arith.constant 0 : i32
    %dma_start3A_424 = arith.constant 0 : i32
    %dma_start3A_425 = tpu.memref_slice %arg8[%dma_start3A_414, %dma_start3A_423, %dma_start3A_424] : memref<8x104x64xf32, #tpu.memory_space<vmem>> -> memref<1x104x64xf32, #tpu.memory_space<vmem>>
    %dma_start3A_426 = tpu.memref_squeeze %dma_start3A_425 : memref<1x104x64xf32, #tpu.memory_space<vmem>> -> memref<104x64xf32, #tpu.memory_space<vmem>>
    tpu.enqueue_dma source(%dma_start3A_426 : memref<104x64xf32, #tpu.memory_space<vmem>>) target(%dma_start3A_422 : memref<104x64xf32, #tpu.memory_space<hbm>>) target_semaphore(%arg16 : memref<!tpu.dma_semaphore, #tpu.memory_space<semaphore_mem>>)
    %multiple_of3A_427 = arith.constant 3224 : i32
    %multiple_of3A_428 = tpu.assume_multiple %multiple_of3A_427, 8 : i32
    %add3A_429 = arith.addi %mul3A_2, %multiple_of3A_428 : i32
    %dma_wait3A_430 = arith.constant 7 : i32
    %dma_wait3A_431 = arith.constant 0 : i32
    %dma_wait3A_432 = arith.constant 0 : i32
    %dma_wait3A_433 = tpu.memref_slice %arg8[%dma_wait3A_430, %dma_wait3A_431, %dma_wait3A_432] : memref<8x104x64xf32, #tpu.memory_space<vmem>> -> memref<1x104x64xf32, #tpu.memory_space<vmem>>
    %dma_wait3A_434 = tpu.memref_squeeze %dma_wait3A_433 : memref<1x104x64xf32, #tpu.memory_space<vmem>> -> memref<104x64xf32, #tpu.memory_space<vmem>>
    %dma_wait3A_435 = arith.constant 0 : i32
    %dma_wait3A_436 = tpu.memref_slice %arg5[%add3A_429, %dma_wait3A_435] : memref<106496x64xf32, #tpu.memory_space<hbm>> -> memref<104x64xf32, #tpu.memory_space<hbm>>
    %dma_wait3A_437 = arith.constant 0 : i32
    %dma_wait3A_438 = tpu.memref_slice %arg5[%add3A_429, %dma_wait3A_437] : memref<106496x64xf32, #tpu.memory_space<hbm>> -> memref<104x64xf32, #tpu.memory_space<hbm>>
    %dma_wait3A_439 = arith.constant 0 : i32
    %dma_wait3A_440 = arith.constant 0 : i32
    %dma_wait3A_441 = tpu.memref_slice %arg8[%dma_wait3A_430, %dma_wait3A_439, %dma_wait3A_440] : memref<8x104x64xf32, #tpu.memory_space<vmem>> -> memref<1x104x64xf32, #tpu.memory_space<vmem>>
    %dma_wait3A_442 = tpu.memref_squeeze %dma_wait3A_441 : memref<1x104x64xf32, #tpu.memory_space<vmem>> -> memref<104x64xf32, #tpu.memory_space<vmem>>
    tpu.wait_dma2 semaphore(%arg16 : memref<!tpu.dma_semaphore, #tpu.memory_space<semaphore_mem>>) src(%dma_wait3A_442 : memref<104x64xf32, #tpu.memory_space<vmem>>) dst(%dma_wait3A_438 : memref<104x64xf32, #tpu.memory_space<hbm>>)
    return
  }
}

</mosaic_0001>

<sc_bundles>
// kernel: _sc_gather.3.cloned.1.call-start
scs
__scs_entry_jumppad:
0x0: {  	(pc) =	sbr.rel $0x88, $3  }
0x1: {  	(tag) =	ssettag $0x0;
	lr =	simm.s32 $0x1  }
0x2: {  	[smem:$0x3F9E] =	sst lr;
	_ =	strace $0xD0000000  }
0x3: {  	_ = 	snop  }
0x4: {  	_ = 	snop  }
0x5: {  	_ = 	snop  }
0x6: {  	_ = 	snop  }
0x7: {  	_ = 	snop  }
__scs_overlays_trampoline_lowered:
0x8: {  	[smem:$0x3FAD] =	sst s0  }
0x9: {  	[smem:$0x3FAE] =	sst s1  }
0xa: {  	[smem:$0x3FAF] =	sst s2  }
0xb: {  	[smem:$0x3FB0] =	sst s3  }
0xc: {  	[smem:$0x3FB1] =	sst s4  }
0xd: {  	[smem:$0x3FB2] =	sst s5  }
0xe: {  	[smem:$0x3FB3] =	sst s6  }
0xf: {  	[smem:$0x3FB4] =	sst s7  }
0x10: {  	[smem:$0x3FB5] =	sst s8  }
0x11: {  	[smem:$0x3FB6] =	sst s9;
	s0 =	simm.s32 @!p0 $0x0  }
0x12: {  	s1 =	sld [smem:$0x3F9C];
	s0 =	simm.s32 @p0 $0x1  }
0x13: {  	[smem:$0x3FB7] =	sst s0;
	s0 =	simm.s32 @!p1 $0x0  }
0x14: {  	s2 =	sld [smem:$0x3F9B];
	s0 =	simm.s32 @p1 $0x1  }
0x15: {  	[smem:$0x3FB8] =	sst s0;
	s0 =	simm.s32 @!p2 $0x0  }
0x16: {  	s3 =	sld [smem:$0x3FDB];
	s0 =	simm.s32 @p2 $0x1  }
0x17: {  	s4 =	simm.s32 $0x1BF5;
	[smem:$0x3FBA] =	sst s0  }
0x18: {  	s0 =	sld [smem:$0x3F9D];
	_ =	swait.ge [sflag:s4], $0x0  }
0x19: {  	s7 =	sld [smem:$0x3F9E]  }
0x1a: {  	s8 =	sadd.s32 $0xFFFFE003, lr  }
0x1b: {  	s9 =	sadd.s32 $0xFFFFFEF7, lr;
	s5 =	simm.s32 $0xFFFFFFFF;
	p2 =	slt.u32 s8, $0xFFFFF086  }
0x1c: {  	p1 =	slt.u32 s9, $0xF7A;
	s5 =	simm.s32 @!p2 $0x0  }
0x1d: {  	s5 =	simm.s32 @p1 $0x1;
	p0 =	seq.s32 s7, s2  }
0x1e: {  	s7 =	smul.u32 @!p0 $0xF7A, s2;
	p2 =	seq.s32 @!p0 s5, $0x0  }
0x1f: {  	s9 =	smul.u32 $0xF7A, s1;
	s8 =	simm.s32 @!p0 $0x1BF5;
	p2 =	por !p2, p0  }
0x20: {  	[sflag:s8] =	ssyncset.s32 @!p0 $0xFFFFF086;
	s6 =	sadd.s32 @!p0 s3, s7;
	s7 =	simm.s32 @!p0 $0x108  }
0x21: {  	s3 =	sadd.s32 s3, s9;
	s6 =	sadd.s32 @!p0 $0x88, s6;
	s7 =	simm.s32 @p2 $0x1082  }
0x22: {  	[simem:s7], [sflag:s8] =	dma.local @!p0 [hbm:s6], $0xF7A  }
0x23: {  	s9 =	sor.u32 $0xD0000000, s2;
	s6 =	simm.s32 $0x108;
	_ =	swait.ge @!p0 [sflag:s8], $0x0  }
0x24: {  	s3 =	sadd.s32 $0x88, s3;
	s6 =	simm.s32 @!p1 $0x1082;
	[sflag:s4] =	ssyncset.s32 $0xFFFFF086  }
0x25: {  	[simem:s6], [sflag:s4] =	dma.local [hbm:s3], $0xF7A  }
0x26: {  	[smem:$0x3F9E] =	sst s1;
	(tag) =	ssettag s2;
	_ =	strace s9  }
0x27: {  	s1 =	sld [smem:$0x3FAE]  }
0x28: {  	s2 =	sld [smem:$0x3FAF]  }
0x29: {  	s4 =	sld [smem:$0x3FB1]  }
0x2a: {  	p0 =	seq.s32 s5, $0x0;
	s5 =	sld [smem:$0x3FB2]  }
0x2b: {  	s6 =	sld [smem:$0x3FB3]  }
0x2c: {  	s7 =	sld [smem:$0x3FB4]  }
0x2d: {  	s3 =	simm.s32 $0x108;
	s8 =	sld [smem:$0x3FB5]  }
0x2e: {  	s3 =	simm.s32 @!p0 $0x1082;
	s9 =	sld [smem:$0x3FB6]  }
0x2f: {  	lr =	sadd.s32 s0, s3;
	s0 =	sld [smem:$0x3FAD]  }
0x30: {  	s3 =	sld [smem:$0x3FB0]  }
0x31: {  	[smem:$0x3FB9] =	sst s10  }
0x32: {  	s10 =	sld [smem:$0x3FB7];
	_ =	sdelay $0x3  }
0x33: {  	p0 =	seq.s32 s10, $0x1;
	s10 =	sld [smem:$0x3FB9];
	_ =	sdelay $0x3  }
0x34: {  	[smem:$0x3FB9] =	sst s10  }
0x35: {  	s10 =	sld [smem:$0x3FB8];
	_ =	sdelay $0x3  }
0x36: {  	p1 =	seq.s32 s10, $0x1;
	s10 =	sld [smem:$0x3FB9];
	_ =	sdelay $0x3  }
0x37: {  	[smem:$0x3FB9] =	sst s10  }
0x38: {  	s10 =	sld [smem:$0x3FBA]  }
0x39: {  	_ = 	snop;
	(pc) =	sbr.ind lr, $3  }
0x3a: {  	_ = 	snop  }
0x3b: {  	_ = 	snop  }
0x3c: {  	p2 =	seq.s32 s10, $0x1;
	s10 =	sld [smem:$0x3FB9]  }
0x3d: {  	_ =	shalt  }
0x3e: {  	_ =	shalt  }
0x3f: {  	_ =	shalt  }
0x40: {  	_ =	shalt  }
0x41: {  	_ =	shalt  }
0x42: {  	_ =	shalt  }
0x43: {  	_ =	shalt  }
0x44: {  	_ =	shalt  }
0x45: {  	_ =	shalt  }
0x46: {  	_ =	shalt  }
0x47: {  	_ =	shalt  }
0x48: {  	_ =	shalt  }
0x49: {  	_ =	shalt  }
0x4a: {  	_ =	shalt  }
0x4b: {  	_ =	shalt  }
0x4c: {  	_ =	shalt  }
0x4d: {  	_ =	shalt  }
0x4e: {  	_ =	shalt  }
0x4f: {  	_ =	shalt  }
0x50: {  	_ =	shalt  }
0x51: {  	_ =	shalt  }
0x52: {  	_ =	shalt  }
0x53: {  	_ =	shalt  }
0x54: {  	_ =	shalt  }
0x55: {  	_ =	shalt  }
0x56: {  	_ =	shalt  }
0x57: {  	_ =	shalt  }
0x58: {  	_ =	shalt  }
0x59: {  	_ =	shalt  }
0x5a: {  	_ =	shalt  }
0x5b: {  	_ =	shalt  }
0x5c: {  	_ =	shalt  }
0x5d: {  	_ =	shalt  }
0x5e: {  	_ =	shalt  }
0x5f: {  	_ =	shalt  }
0x60: {  	_ =	shalt  }
0x61: {  	_ =	shalt  }
0x62: {  	_ =	shalt  }
0x63: {  	_ =	shalt  }
0x64: {  	_ =	shalt  }
0x65: {  	_ =	shalt  }
0x66: {  	_ =	shalt  }
0x67: {  	_ =	shalt  }
0x68: {  	_ =	shalt  }
0x69: {  	_ =	shalt  }
0x6a: {  	_ =	shalt  }
0x6b: {  	_ =	shalt  }
0x6c: {  	_ =	shalt  }
0x6d: {  	_ =	shalt  }
0x6e: {  	_ =	shalt  }
0x6f: {  	_ =	shalt  }
0x70: {  	_ =	shalt  }
0x71: {  	_ =	shalt  }
0x72: {  	_ =	shalt  }
0x73: {  	_ =	shalt  }
0x74: {  	_ =	shalt  }
0x75: {  	_ =	shalt  }
0x76: {  	_ =	shalt  }
0x77: {  	_ =	shalt  }
0x78: {  	_ =	shalt  }
0x79: {  	_ =	shalt  }
0x7a: {  	_ =	shalt  }
0x7b: {  	_ =	shalt  }
0x7c: {  	_ =	shalt  }
0x7d: {  	_ =	shalt  }
0x7e: {  	_ =	shalt  }
0x7f: {  	_ =	shalt  }
0x80: {  	_ =	shalt  }
0x81: {  	_ =	shalt  }
0x82: {  	_ =	shalt  }
0x83: {  	_ =	shalt  }
0x84: {  	_ =	shalt  }
0x85: {  	_ =	shalt  }
0x86: {  	_ =	shalt  }
0x87: {  	_ =	shalt  }
.Lfunc_end0:
.L_simem_size_0:
called_computation_lowered:
.L_overlay_start_0:
0x88: {  	s2 =	sld [smem:$0x3FD9]  }
0x89: {  	s3 =	sld [smem:$0x3FFE];
	_ =	sdelay $0x1  }
0x8a: {  	s1 =	srdreg.scid  }
0x8b: {  	s0 =	sand.u32 $0x1, s1  }
0x8c: {  	s17 =	sshll.u32 s0, $0xA;
	s2 =	sadd.s32 s3, s2  }
0x8d: {  	s2 =	sadd.s32 s2, s17  }
0x8e: {  	[smem:$0x3FC5] =	sst s2  }
0x8f: {  	_ = 	snop  }
0x90: {  	s2 =	sld [smem:$0x3FC8]  }
0x91: {  	s18 =	sld [smem:$0x3FC7]  }
0x92: {  	s4 =	sld [smem:$0x3FD0];
	(tm) =	ssettm $0x1  }
0x93: {  	s5 =	sld [smem:$0x3FFB];
	_ =	sdelay $0x3  }
0x94: {  	_ =	strace s5  }
0x95: {  	s5 =	sld [smem:$0x3FFC];
	_ =	sdelay $0x3  }
0x96: {  	_ =	strace s5  }
0x97: {  	s5 =	sld [smem:$0x3FFD];
	_ =	sdelay $0x3  }
0x98: {  	_ =	strace s5  }
0x99: {  	_ =	strace $0x8FFFFFFF  }
0x9a: {  	s19 =	sld [smem:$0x3FDB];
	_ =	sdelay $0x1  }
0x9b: {  	s6 =	simm.s32 $_scs_section_size  }
0x9c: {  	s7 =	simm.s32 $_size__tile_overlayer_lowered;
	s8 =	simm.s32 $_tile_overlayer_lowered  }
0x9d: {  	s22 =	simm.s32 $0x1BFF;
	s21 =	sshll.u32 s8, $0x1;
	s5 =	sadd.s32 s6, s19  }
0x9e: {  	s9 =	simm.s32 $0x0;
	s20 =	sshll.u32 s7, $0x1;
	s7 =	sadd.s32 s21, s5  }
0x9f: {  	[timem:s9], [sflag:s22] =	dma.local [hbm:s7], s20  }
0xa0: {  	_ =	swait.ge [sflag:s22], s20  }
0xa1: {  	s6 =	ssub.s32 $0x0, s20;
	[sflag:s22] =	ssyncset.done $0x0  }
0xa2: {  	[sflag:s22] =	ssyncadd.s32 s6;
	_ =	sdelay $0x1  }
0xa3: {  	s23 =	simm.s32 $0x1B8B  }
0xa4: {  	_ =	swait.ge [sflag:s23], $0x1  }
0xa5: {  	[sflag:s23] =	ssyncset.done $0x0  }
0xa6: {  	s25 =	simm.s32 $0x1B8E;
	s24 =	sld [smem:$0x3FFE];
	[sflag:s23] =	ssyncadd.s32 $0xFFFFFFFF  }
0xa7: {  	s26 =	simm.s32 $execute0_lowered;
	[smem:$0x3FD2] =	sst s25  }
0xa8: {  	s7 =	sshll.u32 s26, $0x1;
	_ =	strace $0x80000046;
	[dreg:$0x1] =	wrdreg $0xFFFFFFFF  }
0xa9: {  	s28 =	simm.s32 $_size_execute0_lowered;
	s5 =	sadd.s32 s5, s7;
	[dreg:$0x0] =	wrdreg $0x0  }
0xaa: {  	s7 =	sshll.u32 s28, $0x1;
	[dreg:$0x2] =	wrdreg s5  }
0xab: {  	[dreg:$0x3] =	wrdreg s7  }
0xac: {  	[dreg:$0x4] =	wrdreg $0xC0  }
0xad: {  	_ =	task [dreg:s9], $0x5FFFF  }
0xae: {  	[dreg:$0x1] =	wrdreg $0xFFFFFFFF  }
0xaf: {  	[dreg:$0x0] =	wrdreg $0x60  }
0xb0: {  	[dreg:$0x2] =	wrdreg s24  }
0xb1: {  	[dreg:$0x3] =	wrdreg s2  }
0xb2: {  	[dreg:$0x4] =	wrdreg s18  }
0xb3: {  	[dreg:$0x5] =	wrdreg s4  }
0xb4: {  	[dreg:$0x6] =	wrdreg $0x9  }
0xb5: {  	_ =	task.clear_ibuf [dreg:s9], $0x7FFFF;
	_ =	strace $0x90000046  }
0xb6: {  	s29 =	simm.s32 $0x9;
	_ =	strace $0x80000048  }
0xb7: {  	_ =	swait.ge [sflag:s29], $0x1  }
0xb8: {  	[sflag:s29] =	ssyncadd.s32 $0xFFFFFFFF  }
0xb9: {  	_ =	strace $0x90000048  }
0xba: {  	_ =	sfence  }
0xbb: {  	s30 =	sld [smem:$0x0];
	_ =	sdelay $0x2  }
0xbc: {  	s31 =	sshll.u32 s1, $0xD;
	s1 =	sshrl.u32 s1, $0x2  }
0xbd: {  	s3 =	sand.u32 $0x4000, s31;
	s1 =	sadd.s32 s1, s30  }
0xbe: {  	s0 =	sor.u32 s3, s0;
	s1 =	sshll.u32 s1, $0x11  }
0xbf: {  	s0 =	sor.u32 s1, s0  }
0xc0: {  	s0 =	sadd.s32 $0x8F2B, s0  }
0xc1: {  	[sflag:s0] =	ssyncadd.remote.s32 $0x1  }
0xc2: {  	_ =	sfence.sel $0xFFFF  }
0xc3: {  	[dreg:$0x0] =	wrdreg $0xFFFFFFFF;
	(pc) =	sbr.abs _section_cstart, $3  }
0xc4: {  	[dreg:$0x1] =	wrdreg $0xFFFFFFFF  }
0xc5: {  	_ =	task.clear_ibuf [dreg:s9], $0x2FFFF;
	_ =	strace $0x9FFFFFFF  }
0xc6: {  	(tm) =	ssettm $0x7FFFFFFF  }
0xc7: {  	_ =	shalt  }
tec
execute0_lowered:
.L_overlay_start_1:
0x0: {  	(tag) =	ssettag $0x1  }
0x1: {  	s0 =	rddreg [dreg:$0x0]  }
0x2: {  	s1 =	rddreg [dreg:$0x1]  }
0x3: {  	s2 =	srdreg.scid;
	s14 =	stileid.u32  }
0x4: {  	s3 =	rddreg [dreg:$0x3];
	s29 =	simm.s32 $0x9C00;
	s9 =	smul.u32 $0x1A00, s14  }
0x5: {  	s31 =	simm.s32 $0xB600;
	s2 =	sand.u32 $0x1, s2;
	s23 =	smul.u32 $0xD000, s14  }
0x6: {  	s28 =	simm.s32 $0x6;
	s4 =	sshll.u32 s14, $0x1;
	s10 =	smul.u32 $0xD00, s2  }
0x7: {  	s5 =	sor.u32 s2, s4;
	s8 =	ssub.s32 $0x2, s2;
	s2 =	smul.u32 $0x6800, s2  }
0x8: {  	s30 =	simm.s32 $0x7;
	s4 =	simm.s32 $0x0;
	s6 =	smul.u32 $0xD00, s5  }
0x9: {  	[smem:$0x7FF] =	sst s4;
	s7 =	smul.u32 $0x34000, s5;
	s26 =	sshrl.u32 s8, $0x1  }
0xa: {  	s5 =	sadd.s32 $0x27AC800, s0;
	_ =	strace $0x80000047;
	s0 =	ssub.s32 s8, s26  }
0xb: {  	s26 =	sadd.s32 s2, s23;
	s6 =	sshrl.u32 s6, $0x3;
	s7 =	sshrl.u32 s7, $0x3  }
0xc: {  	[dreg:$0xc] =	wrdreg s26;
	s1 =	sadd.s32 s1, s6;
	s8 =	sadd.s32 s3, s7  }
0xd: {  	s13 =	sadd.s32 s10, s9;
	[dreg:$0xd] =	wrdreg s1;
	s7 =	sadd.s32 $0x4E00, s8  }
0xe: {  	s2 =	simm.s32 $0x1;
	s15 =	sadd.s32 $0x5140, s8;
	[dreg:$0xe] =	wrdreg s7  }
0xf: {  	s23 =	simm.s32 $0x4;
	s16 =	sadd.s32 $0x5480, s8;
	[dreg:$0xf] =	wrdreg s15  }
0x10: {  	s6 =	sshll.u32 s13, $0x3;
	s17 =	sadd.s32 $0x57C0, s8;
	[dreg:$0x10] =	wrdreg s16  }
0x11: {  	s26 =	simm.s32 $0x8200;
	s18 =	sadd.s32 $0x16C0, s6;
	[dreg:$0x11] =	wrdreg s17  }
0x12: {  	s11 =	sadd.s32 $0x5B00, s8;
	s19 =	sadd.s32 $0x1380, s6;
	[dreg:$0x5] =	wrdreg s18  }
0x13: {  	s12 =	sadd.s32 $0x5E40, s8;
	s20 =	sadd.s32 $0x1040, s6;
	[dreg:$0x6] =	wrdreg s19  }
0x14: {  	s13 =	sadd.s32 $0x6180, s8;
	s21 =	sadd.s32 $0xD00, s6;
	[dreg:$0x7] =	wrdreg s20  }
0x15: {  	s22 =	sadd.s32 $0x9C0, s6;
	s24 =	sor.u32 $0x680, s6;
	[dreg:$0x8] =	wrdreg s21  }
0x16: {  	s14 =	sadd.s32 $0x64C0, s8;
	s25 =	sor.u32 $0x340, s6;
	[dreg:$0x9] =	wrdreg s22  }
0x17: {  	s1 =	simm.s32 $0x8;
	s6 =	simm.s32 $0x0;
	[dreg:$0xa] =	wrdreg s24  }
0x18: {  	s15 =	smax.u32 s0, $0x1;
	[dreg:$0xb] =	wrdreg s25;
	s16 =	simm.s32 $0x9  }
0x19: {  	s18 =	simm.s32 $0x68;
	s19 =	simm.s32 $0x1A00;
	s20 =	simm.s32 $0x3400  }
0x1a: {  	s22 =	simm.s32 $0x4E00;
	s24 =	simm.s32 $0x6800;
	s0 =	simm.s32 $0xD000  }
0x1b: {  	s17 =	simm.s32 $0x2;
	s21 =	simm.s32 $0x3;
	s25 =	simm.s32 $0x5  }
.LBB2_1:
0x1c: {  	s7 =	rddreg [dreg:$0xd]  }
0x1d: {  	[tilespmem:s4], [sflag:$0x9] =	stream.linear.gather [hbm4b:s7+s4], $0xD00, $0x38;
	[tilespmem:$0xEA00] =	vst v63  }
0x1e: {  	_ =	swait.ge [sflag:s16], $0xD00  }
0x1f: {  	[sflag:s16] =	ssyncset.done $0x0  }
0x20: {  	[sflag:s16] =	ssyncadd.s32 $0xFFFFF300  }
0x21: {  	s8 =	simm.s32 $0xD00;
	s10 =	rddreg [dreg:$0x2]  }
0x22: {  	[tilespmem:s8], [sflag:$0x9] =	stream.linear.gather [hbm4b:s10+s4], $0xD00, $0x38;
	[tilespmem:$0xEA00] =	vst v63  }
0x23: {  	_ =	swait.ge [sflag:s16], $0xD00  }
0x24: {  	[sflag:s16] =	ssyncset.done $0x0  }
0x25: {  	s7 =	simm.s32 $0x0;
	[sflag:s16] =	ssyncadd.s32 $0xFFFFF300  }
0x26: {  	s8 =	simm.s32 $0x40;
	v0 =	vld [tilespmem:s7+$0xD00]  }
.LBB2_2:
0x27: {  	p0 =	sne.s32 s8, $0x33C0;
	v1 =	vld [tilespmem:s7+$0x0];
	_ =	sdelay $0x1  }
.Ltmp0:
0x28: {  	(pc) =	sbr.rel @p0 .LBB2_2-.Ltmp0, $3  }
0x29: {  	_ =	sdelay $0x1  }
0x2a: {  	s9 =	sshra.s32 s8, $0x2;
	v1 =	vadd.s32 v1, v0  }
0x2b: {  	s8 =	sadd.s32 $0x40, s8;
	v0 =	vld [tilespmem:s9+$0xD00];
	[tilespmem:s7+$0x0] =	vst v1;
	s7 =	smov.u32 s9  }
0x2c: {  	v1 =	vld [tilespmem:s7+$0x0];
	_ =	sdelay $0x4  }
0x2d: {  	v0 =	vadd.s32 v1, v0  }
0x2e: {  	s10 =	simm.s32 $0x0;
	[tilespmem:s7+$0x0] =	vst v0  }
0x2f: {  	[tilespmem:s19], [sflag:$0x1] =	stream.indirect.gather [hbm4b:s5+s18], $0x40, s10, s18, $0xb8;
	[tilespmem:$0xEA00] =	vst v63  }
0x30: {  	_ = 	snop  }
0x31: {  	[tilespmem:s20], [sflag:$0x2] =	stream.indirect.gather [hbm4b:s5+s18], $0x40, s18, s18, $0xb8;
	[tilespmem:$0xEA00] =	vst v63  }
0x32: {  	s8 =	simm.s32 $0xD0  }
0x33: {  	[tilespmem:s22], [sflag:$0x3] =	stream.indirect.gather [hbm4b:s5+s18], $0x40, s8, s18, $0xb8;
	[tilespmem:$0xEA00] =	vst v63  }
0x34: {  	s9 =	simm.s32 $0x138  }
0x35: {  	[tilespmem:s24], [sflag:$0x4] =	stream.indirect.gather [hbm4b:s5+s18], $0x40, s9, s18, $0xb8;
	[tilespmem:$0xEA00] =	vst v63  }
0x36: {  	s10 =	simm.s32 $0x1A0  }
0x37: {  	[tilespmem:s26], [sflag:$0x5] =	stream.indirect.gather [hbm4b:s5+s18], $0x40, s10, s18, $0xb8;
	[tilespmem:$0xEA00] =	vst v63  }
0x38: {  	s8 =	simm.s32 $0x208  }
0x39: {  	[tilespmem:s29], [sflag:$0x6] =	stream.indirect.gather [hbm4b:s5+s18], $0x40, s8, s18, $0xb8;
	[tilespmem:$0xEA00] =	vst v63  }
0x3a: {  	s9 =	simm.s32 $0x270  }
0x3b: {  	[tilespmem:s31], [sflag:$0x7] =	stream.indirect.gather [hbm4b:s5+s18], $0x40, s9, s18, $0xb8;
	[tilespmem:$0xEA00] =	vst v63  }
0x3c: {  	s10 =	simm.s32 $0x2D8  }
0x3d: {  	[tilespmem:s0], [sflag:$0x8] =	stream.indirect.gather [hbm4b:s5+s18], $0x40, s10, s18, $0xb8;
	[tilespmem:$0xEA00] =	vst v63  }
0x3e: {  	_ =	swait.ge [sflag:s2], $0x1A00  }
0x3f: {  	s8 =	rddreg [dreg:$0xc];
	[sflag:s2] =	ssyncset.done $0x0  }
0x40: {  	[sflag:s2] =	ssyncadd.s32 $0xFFFFE600;
	s7 =	sadd.s32 s3, s8  }
0x41: {  	[hbm4b:s7+s4] =	stream.linear.scatter [tilespmem:s19], [sflag:$0x1], $0x1A00, $0x38;
	[tilespmem:$0xEA00] =	vst v63  }
0x42: {  	_ =	swait.ge [sflag:s2], $0x1A00  }
0x43: {  	[sflag:s2] =	ssyncset.done $0x0  }
0x44: {  	s9 =	simm.s32 $0x340;
	[sflag:s2] =	ssyncadd.s32 $0xFFFFE600  }
0x45: {  	[tilespmem:s19], [sflag:$0x1] =	stream.indirect.gather [hbm4b:s5+s18], $0x40, s9, s18, $0xb8;
	[tilespmem:$0xEA00] =	vst v63  }
0x46: {  	_ =	swait.ge [sflag:s17], $0x1A00  }
0x47: {  	s10 =	rddreg [dreg:$0xb];
	[sflag:s17] =	ssyncset.done $0x0  }
0x48: {  	[sflag:s17] =	ssyncadd.s32 $0xFFFFE600;
	s7 =	sadd.s32 s3, s10  }
0x49: {  	[hbm4b:s7+s4] =	stream.linear.scatter [tilespmem:s20], [sflag:$0x2], $0x1A00, $0x38;
	[tilespmem:$0xEA00] =	vst v63  }
0x4a: {  	_ =	swait.ge [sflag:s17], $0x1A00  }
0x4b: {  	[sflag:s17] =	ssyncset.done $0x0  }
0x4c: {  	s8 =	simm.s32 $0x3A8;
	[sflag:s17] =	ssyncadd.s32 $0xFFFFE600  }
0x4d: {  	[tilespmem:s20], [sflag:$0x2] =	stream.indirect.gather [hbm4b:s5+s18], $0x40, s8, s18, $0xb8;
	[tilespmem:$0xEA00] =	vst v63  }
0x4e: {  	_ =	swait.ge [sflag:s21], $0x1A00  }
0x4f: {  	s9 =	rddreg [dreg:$0xa];
	[sflag:s21] =	ssyncset.done $0x0  }
0x50: {  	[sflag:s21] =	ssyncadd.s32 $0xFFFFE600;
	s7 =	sadd.s32 s3, s9  }
0x51: {  	[hbm4b:s7+s4] =	stream.linear.scatter [tilespmem:s22], [sflag:$0x3], $0x1A00, $0x38;
	[tilespmem:$0xEA00] =	vst v63  }
0x52: {  	_ =	swait.ge [sflag:s21], $0x1A00  }
0x53: {  	[sflag:s21] =	ssyncset.done $0x0  }
0x54: {  	s10 =	simm.s32 $0x410;
	[sflag:s21] =	ssyncadd.s32 $0xFFFFE600  }
0x55: {  	[tilespmem:s22], [sflag:$0x3] =	stream.indirect.gather [hbm4b:s5+s18], $0x40, s10, s18, $0xb8;
	[tilespmem:$0xEA00] =	vst v63  }
0x56: {  	_ =	swait.ge [sflag:s23], $0x1A00  }
0x57: {  	s8 =	rddreg [dreg:$0x9];
	[sflag:s23] =	ssyncset.done $0x0  }
0x58: {  	[sflag:s23] =	ssyncadd.s32 $0xFFFFE600;
	s7 =	sadd.s32 s3, s8  }
0x59: {  	[hbm4b:s7+s4] =	stream.linear.scatter [tilespmem:s24], [sflag:$0x4], $0x1A00, $0x38;
	[tilespmem:$0xEA00] =	vst v63  }
0x5a: {  	_ =	swait.ge [sflag:s23], $0x1A00  }
0x5b: {  	[sflag:s23] =	ssyncset.done $0x0  }
0x5c: {  	s9 =	simm.s32 $0x478;
	[sflag:s23] =	ssyncadd.s32 $0xFFFFE600  }
0x5d: {  	[tilespmem:s24], [sflag:$0x4] =	stream.indirect.gather [hbm4b:s5+s18], $0x40, s9, s18, $0xb8;
	[tilespmem:$0xEA00] =	vst v63  }
0x5e: {  	_ =	swait.ge [sflag:s25], $0x1A00  }
0x5f: {  	s10 =	rddreg [dreg:$0x8];
	[sflag:s25] =	ssyncset.done $0x0  }
0x60: {  	[sflag:s25] =	ssyncadd.s32 $0xFFFFE600;
	s7 =	sadd.s32 s3, s10  }
0x61: {  	[hbm4b:s7+s4] =	stream.linear.scatter [tilespmem:s26], [sflag:$0x5], $0x1A00, $0x38;
	[tilespmem:$0xEA00] =	vst v63  }
0x62: {  	_ =	swait.ge [sflag:s25], $0x1A00  }
0x63: {  	[sflag:s25] =	ssyncset.done $0x0  }
0x64: {  	s8 =	simm.s32 $0x4E0;
	[sflag:s25] =	ssyncadd.s32 $0xFFFFE600  }
0x65: {  	[tilespmem:s26], [sflag:$0x5] =	stream.indirect.gather [hbm4b:s5+s18], $0x40, s8, s18, $0xb8;
	[tilespmem:$0xEA00] =	vst v63  }
0x66: {  	_ =	swait.ge [sflag:s28], $0x1A00  }
0x67: {  	s9 =	rddreg [dreg:$0x7];
	[sflag:s28] =	ssyncset.done $0x0  }
0x68: {  	[sflag:s28] =	ssyncadd.s32 $0xFFFFE600;
	s7 =	sadd.s32 s3, s9  }
0x69: {  	[hbm4b:s7+s4] =	stream.linear.scatter [tilespmem:s29], [sflag:$0x6], $0x1A00, $0x38;
	[tilespmem:$0xEA00] =	vst v63  }
0x6a: {  	_ =	swait.ge [sflag:s28], $0x1A00  }
0x6b: {  	[sflag:s28] =	ssyncset.done $0x0  }
0x6c: {  	s10 =	simm.s32 $0x548;
	[sflag:s28] =	ssyncadd.s32 $0xFFFFE600  }
0x6d: {  	[tilespmem:s29], [sflag:$0x6] =	stream.indirect.gather [hbm4b:s5+s18], $0x40, s10, s18, $0xb8;
	[tilespmem:$0xEA00] =	vst v63  }
0x6e: {  	_ =	swait.ge [sflag:s30], $0x1A00  }
0x6f: {  	s8 =	rddreg [dreg:$0x6];
	[sflag:s30] =	ssyncset.done $0x0  }
0x70: {  	[sflag:s30] =	ssyncadd.s32 $0xFFFFE600;
	s7 =	sadd.s32 s3, s8  }
0x71: {  	[hbm4b:s7+s4] =	stream.linear.scatter [tilespmem:s31], [sflag:$0x7], $0x1A00, $0x38;
	[tilespmem:$0xEA00] =	vst v63  }
0x72: {  	_ =	swait.ge [sflag:s30], $0x1A00  }
0x73: {  	[sflag:s30] =	ssyncset.done $0x0  }
0x74: {  	s9 =	simm.s32 $0x5B0;
	[sflag:s30] =	ssyncadd.s32 $0xFFFFE600  }
0x75: {  	[tilespmem:s31], [sflag:$0x7] =	stream.indirect.gather [hbm4b:s5+s18], $0x40, s9, s18, $0xb8;
	[tilespmem:$0xEA00] =	vst v63  }
0x76: {  	_ =	swait.ge [sflag:s1], $0x1A00  }
0x77: {  	s10 =	rddreg [dreg:$0x5];
	[sflag:s1] =	ssyncset.done $0x0  }
0x78: {  	[sflag:s1] =	ssyncadd.s32 $0xFFFFE600;
	s7 =	sadd.s32 s3, s10  }
0x79: {  	[hbm4b:s7+s4] =	stream.linear.scatter [tilespmem:s0], [sflag:$0x8], $0x1A00, $0x38;
	[tilespmem:$0xEA00] =	vst v63  }
0x7a: {  	_ =	swait.ge [sflag:s1], $0x1A00  }
0x7b: {  	s8 =	sadd.s32 $0x1A00, s3;
	[sflag:s1] =	ssyncset.done $0x0  }
0x7c: {  	s9 =	simm.s32 $0x618;
	s7 =	simm.s32 $0xD00;
	[sflag:s1] =	ssyncadd.s32 $0xFFFFE600  }
.LBB2_4:
0x7d: {  	[tilespmem:s0], [sflag:$0x8] =	stream.indirect.gather [hbm4b:s5+s18], $0x40, s9, s18, $0xb8;
	[tilespmem:$0xEA00] =	vst v63  }
0x7e: {  	_ =	swait.ge [sflag:s2], $0x1A00  }
0x7f: {  	s10 =	rddreg [dreg:$0xc];
	[sflag:s2] =	ssyncset.done $0x0  }
0x80: {  	[sflag:s2] =	ssyncadd.s32 $0xFFFFE600;
	s10 =	sadd.s32 s8, s10  }
0x81: {  	[hbm4b:s10+s4] =	stream.linear.scatter [tilespmem:s19], [sflag:$0x1], $0x1A00, $0x38;
	[tilespmem:$0xEA00] =	vst v63  }
0x82: {  	s9 =	smov.u32 s7;
	_ =	swait.ge [sflag:s2], $0x1A00  }
0x83: {  	s9 =	sshra.s32 s9, $0x2;
	[sflag:s2] =	ssyncset.done $0x0  }
0x84: {  	s10 =	sadd.s32 $0x340, s9;
	[sflag:s2] =	ssyncadd.s32 $0xFFFFE600  }
0x85: {  	[tilespmem:s19], [sflag:$0x1] =	stream.indirect.gather [hbm4b:s5+s18], $0x40, s10, s18, $0xb8;
	[tilespmem:$0xEA00] =	vst v63  }
0x86: {  	_ =	swait.ge [sflag:s17], $0x1A00  }
0x87: {  	s10 =	rddreg [dreg:$0xb];
	[sflag:s17] =	ssyncset.done $0x0  }
0x88: {  	[sflag:s17] =	ssyncadd.s32 $0xFFFFE600;
	s10 =	sadd.s32 s8, s10  }
0x89: {  	[hbm4b:s10+s4] =	stream.linear.scatter [tilespmem:s20], [sflag:$0x2], $0x1A00, $0x38;
	[tilespmem:$0xEA00] =	vst v63  }
0x8a: {  	_ =	swait.ge [sflag:s17], $0x1A00  }
0x8b: {  	[sflag:s17] =	ssyncset.done $0x0  }
0x8c: {  	s10 =	sadd.s32 $0x3A8, s9;
	[sflag:s17] =	ssyncadd.s32 $0xFFFFE600  }
0x8d: {  	[tilespmem:s20], [sflag:$0x2] =	stream.indirect.gather [hbm4b:s5+s18], $0x40, s10, s18, $0xb8;
	[tilespmem:$0xEA00] =	vst v63  }
0x8e: {  	_ =	swait.ge [sflag:s21], $0x1A00  }
0x8f: {  	s10 =	rddreg [dreg:$0xa];
	[sflag:s21] =	ssyncset.done $0x0  }
0x90: {  	[sflag:s21] =	ssyncadd.s32 $0xFFFFE600;
	s10 =	sadd.s32 s8, s10  }
0x91: {  	[hbm4b:s10+s4] =	stream.linear.scatter [tilespmem:s22], [sflag:$0x3], $0x1A00, $0x38;
	[tilespmem:$0xEA00] =	vst v63  }
0x92: {  	_ =	swait.ge [sflag:s21], $0x1A00  }
0x93: {  	[sflag:s21] =	ssyncset.done $0x0  }
0x94: {  	s10 =	sadd.s32 $0x410, s9;
	[sflag:s21] =	ssyncadd.s32 $0xFFFFE600  }
0x95: {  	[tilespmem:s22], [sflag:$0x3] =	stream.indirect.gather [hbm4b:s5+s18], $0x40, s10, s18, $0xb8;
	[tilespmem:$0xEA00] =	vst v63  }
0x96: {  	_ =	swait.ge [sflag:s23], $0x1A00  }
0x97: {  	s10 =	rddreg [dreg:$0x9];
	[sflag:s23] =	ssyncset.done $0x0  }
0x98: {  	[sflag:s23] =	ssyncadd.s32 $0xFFFFE600;
	s10 =	sadd.s32 s8, s10  }
0x99: {  	[hbm4b:s10+s4] =	stream.linear.scatter [tilespmem:s24], [sflag:$0x4], $0x1A00, $0x38;
	[tilespmem:$0xEA00] =	vst v63  }
0x9a: {  	_ =	swait.ge [sflag:s23], $0x1A00  }
0x9b: {  	[sflag:s23] =	ssyncset.done $0x0  }
0x9c: {  	s10 =	sadd.s32 $0x478, s9;
	[sflag:s23] =	ssyncadd.s32 $0xFFFFE600  }
0x9d: {  	[tilespmem:s24], [sflag:$0x4] =	stream.indirect.gather [hbm4b:s5+s18], $0x40, s10, s18, $0xb8;
	[tilespmem:$0xEA00] =	vst v63  }
0x9e: {  	_ =	swait.ge [sflag:s25], $0x1A00  }
0x9f: {  	s10 =	rddreg [dreg:$0x8];
	[sflag:s25] =	ssyncset.done $0x0  }
0xa0: {  	[sflag:s25] =	ssyncadd.s32 $0xFFFFE600;
	s10 =	sadd.s32 s8, s10  }
0xa1: {  	[hbm4b:s10+s4] =	stream.linear.scatter [tilespmem:s26], [sflag:$0x5], $0x1A00, $0x38;
	[tilespmem:$0xEA00] =	vst v63  }
0xa2: {  	_ =	swait.ge [sflag:s25], $0x1A00  }
0xa3: {  	[sflag:s25] =	ssyncset.done $0x0  }
0xa4: {  	s10 =	sadd.s32 $0x4E0, s9;
	[sflag:s25] =	ssyncadd.s32 $0xFFFFE600  }
0xa5: {  	[tilespmem:s26], [sflag:$0x5] =	stream.indirect.gather [hbm4b:s5+s18], $0x40, s10, s18, $0xb8;
	[tilespmem:$0xEA00] =	vst v63  }
0xa6: {  	_ =	swait.ge [sflag:s28], $0x1A00  }
0xa7: {  	s10 =	rddreg [dreg:$0x7];
	[sflag:s28] =	ssyncset.done $0x0  }
0xa8: {  	[sflag:s28] =	ssyncadd.s32 $0xFFFFE600;
	s10 =	sadd.s32 s8, s10  }
0xa9: {  	[hbm4b:s10+s4] =	stream.linear.scatter [tilespmem:s29], [sflag:$0x6], $0x1A00, $0x38;
	[tilespmem:$0xEA00] =	vst v63  }
0xaa: {  	_ =	swait.ge [sflag:s28], $0x1A00  }
0xab: {  	[sflag:s28] =	ssyncset.done $0x0  }
0xac: {  	s10 =	sadd.s32 $0x548, s9;
	[sflag:s28] =	ssyncadd.s32 $0xFFFFE600  }
0xad: {  	[tilespmem:s29], [sflag:$0x6] =	stream.indirect.gather [hbm4b:s5+s18], $0x40, s10, s18, $0xb8;
	[tilespmem:$0xEA00] =	vst v63  }
0xae: {  	_ =	swait.ge [sflag:s30], $0x1A00  }
0xaf: {  	s10 =	rddreg [dreg:$0x6];
	[sflag:s30] =	ssyncset.done $0x0  }
0xb0: {  	[sflag:s30] =	ssyncadd.s32 $0xFFFFE600;
	s10 =	sadd.s32 s8, s10  }
0xb1: {  	[hbm4b:s10+s4] =	stream.linear.scatter [tilespmem:s31], [sflag:$0x7], $0x1A00, $0x38;
	[tilespmem:$0xEA00] =	vst v63  }
0xb2: {  	_ =	swait.ge [sflag:s30], $0x1A00  }
0xb3: {  	[sflag:s30] =	ssyncset.done $0x0  }
0xb4: {  	s10 =	sadd.s32 $0x5B0, s9;
	[sflag:s30] =	ssyncadd.s32 $0xFFFFE600  }
0xb5: {  	[tilespmem:s31], [sflag:$0x7] =	stream.indirect.gather [hbm4b:s5+s18], $0x40, s10, s18, $0xb8;
	[tilespmem:$0xEA00] =	vst v63  }
0xb6: {  	_ =	swait.ge [sflag:s1], $0x1A00  }
0xb7: {  	p0 =	sne.s32 s7, $0x1A00;
	s10 =	rddreg [dreg:$0x5];
	[sflag:s1] =	ssyncset.done $0x0  }
.Ltmp1:
0xb8: {  	[sflag:s1] =	ssyncadd.s32 $0xFFFFE600;
	s10 =	sadd.s32 s8, s10;
	(pc) =	sbr.rel @p0 .LBB2_4-.Ltmp1, $4  }
0xb9: {  	[hbm4b:s10+s4] =	stream.linear.scatter [tilespmem:s0], [sflag:$0x8], $0x1A00, $0x38;
	[tilespmem:$0xEA00] =	vst v63  }
0xba: {  	_ =	swait.ge [sflag:s1], $0x1A00  }
0xbb: {  	s7 =	sadd.s32 $0xD00, s7;
	[sflag:s1] =	ssyncset.done $0x0  }
0xbc: {  	s9 =	sadd.s32 $0x618, s9;
	s8 =	sadd.s32 $0x1A00, s8;
	[sflag:s1] =	ssyncadd.s32 $0xFFFFE600  }
0xbd: {  	[tilespmem:s0], [sflag:$0x8] =	stream.indirect.gather [hbm4b:s5+s18], $0x40, s9, s18, $0xb8;
	[tilespmem:$0xEA00] =	vst v63  }
0xbe: {  	_ =	swait.ge [sflag:s2], $0x1A00  }
0xbf: {  	[sflag:s2] =	ssyncset.done $0x0  }
0xc0: {  	s7 =	rddreg [dreg:$0xe];
	[sflag:s2] =	ssyncadd.s32 $0xFFFFE600  }
0xc1: {  	[hbm4b:s7+s4] =	stream.linear.scatter [tilespmem:s19], [sflag:$0x1], $0x1A00, $0x38;
	[tilespmem:$0xEA00] =	vst v63  }
0xc2: {  	_ =	swait.ge [sflag:s2], $0x1A00  }
0xc3: {  	[sflag:s2] =	ssyncset.done $0x0  }
0xc4: {  	[sflag:s2] =	ssyncadd.s32 $0xFFFFE600  }
0xc5: {  	_ =	swait.ge [sflag:s17], $0x1A00  }
0xc6: {  	[sflag:s17] =	ssyncset.done $0x0  }
0xc7: {  	s8 =	rddreg [dreg:$0xf];
	[sflag:s17] =	ssyncadd.s32 $0xFFFFE600  }
0xc8: {  	[hbm4b:s8+s4] =	stream.linear.scatter [tilespmem:s20], [sflag:$0x2], $0x1A00, $0x38;
	[tilespmem:$0xEA00] =	vst v63  }
0xc9: {  	_ =	swait.ge [sflag:s17], $0x1A00  }
0xca: {  	[sflag:s17] =	ssyncset.done $0x0  }
0xcb: {  	[sflag:s17] =	ssyncadd.s32 $0xFFFFE600  }
0xcc: {  	_ =	swait.ge [sflag:s21], $0x1A00  }
0xcd: {  	[sflag:s21] =	ssyncset.done $0x0  }
0xce: {  	s9 =	rddreg [dreg:$0x10];
	[sflag:s21] =	ssyncadd.s32 $0xFFFFE600  }
0xcf: {  	[hbm4b:s9+s4] =	stream.linear.scatter [tilespmem:s22], [sflag:$0x3], $0x1A00, $0x38;
	[tilespmem:$0xEA00] =	vst v63  }
0xd0: {  	_ =	swait.ge [sflag:s21], $0x1A00  }
0xd1: {  	[sflag:s21] =	ssyncset.done $0x0  }
0xd2: {  	[sflag:s21] =	ssyncadd.s32 $0xFFFFE600  }
0xd3: {  	_ =	swait.ge [sflag:s23], $0x1A00  }
0xd4: {  	[sflag:s23] =	ssyncset.done $0x0  }
0xd5: {  	s10 =	rddreg [dreg:$0x11];
	[sflag:s23] =	ssyncadd.s32 $0xFFFFE600  }
0xd6: {  	[hbm4b:s10+s4] =	stream.linear.scatter [tilespmem:s24], [sflag:$0x4], $0x1A00, $0x38;
	[tilespmem:$0xEA00] =	vst v63  }
0xd7: {  	_ =	swait.ge [sflag:s23], $0x1A00  }
0xd8: {  	[sflag:s23] =	ssyncset.done $0x0  }
0xd9: {  	[sflag:s23] =	ssyncadd.s32 $0xFFFFE600  }
0xda: {  	_ =	swait.ge [sflag:s25], $0x1A00  }
0xdb: {  	[sflag:s25] =	ssyncset.done $0x0  }
0xdc: {  	[sflag:s25] =	ssyncadd.s32 $0xFFFFE600  }
0xdd: {  	[hbm4b:s11+s4] =	stream.linear.scatter [tilespmem:s26], [sflag:$0x5], $0x1A00, $0x38;
	[tilespmem:$0xEA00] =	vst v63  }
0xde: {  	_ =	swait.ge [sflag:s25], $0x1A00  }
0xdf: {  	[sflag:s25] =	ssyncset.done $0x0  }
0xe0: {  	[sflag:s25] =	ssyncadd.s32 $0xFFFFE600  }
0xe1: {  	_ =	swait.ge [sflag:s28], $0x1A00  }
0xe2: {  	[sflag:s28] =	ssyncset.done $0x0  }
0xe3: {  	[sflag:s28] =	ssyncadd.s32 $0xFFFFE600  }
0xe4: {  	[hbm4b:s12+s4] =	stream.linear.scatter [tilespmem:s29], [sflag:$0x6], $0x1A00, $0x38;
	[tilespmem:$0xEA00] =	vst v63  }
0xe5: {  	_ =	swait.ge [sflag:s28], $0x1A00  }
0xe6: {  	[sflag:s28] =	ssyncset.done $0x0  }
0xe7: {  	[sflag:s28] =	ssyncadd.s32 $0xFFFFE600  }
0xe8: {  	_ =	swait.ge [sflag:s30], $0x1A00  }
0xe9: {  	[sflag:s30] =	ssyncset.done $0x0  }
0xea: {  	[sflag:s30] =	ssyncadd.s32 $0xFFFFE600  }
0xeb: {  	[hbm4b:s13+s4] =	stream.linear.scatter [tilespmem:s31], [sflag:$0x7], $0x1A00, $0x38;
	[tilespmem:$0xEA00] =	vst v63  }
0xec: {  	_ =	swait.ge [sflag:s30], $0x1A00  }
0xed: {  	[sflag:s30] =	ssyncset.done $0x0  }
0xee: {  	[sflag:s30] =	ssyncadd.s32 $0xFFFFE600  }
0xef: {  	s6 =	sadd.s32 $0x1, s6;
	_ =	swait.ge [sflag:s1], $0x1A00  }
0xf0: {  	p0 =	sne.s32 s6, s15;
	[sflag:s1] =	ssyncset.done $0x0  }
.Ltmp2:
0xf1: {  	[sflag:s1] =	ssyncadd.s32 $0xFFFFE600;
	(pc) =	sbr.rel @p0 .LBB2_1-.Ltmp2, $4  }
0xf2: {  	[hbm4b:s14+s4] =	stream.linear.scatter [tilespmem:s0], [sflag:$0x8], $0x1A00, $0x38;
	[tilespmem:$0xEA00] =	vst v63  }
0xf3: {  	_ =	swait.ge [sflag:s1], $0x1A00  }
0xf4: {  	[sflag:s1] =	ssyncset.done $0x0  }
0xf5: {  	[sflag:s1] =	ssyncadd.s32 $0xFFFFE600  }
0xf6: {  	_ =	sfence.sel $0x180000  }
0xf7: {  	[bflag:$0x0] =	sbarrier.arrive $0xFFFF  }
0xf8: {  	_ =	strace $0x90000047  }
0xf9: {  	s0 =	stileid.u32;
	[bflag:$0x2] =	sbarrier.arrive $0xFFFF  }
0xfa: {  	p0 =	sne.s32 s0, $0x0;
	s0 =	rddreg [dreg:$0x4]  }
0xfb: {  	s0 =	sadd.s32 @!p0 $0x100000, s0  }
0xfc: {  	[sflag:s0] =	ssyncadd.tile.s32 @!p0 $0x1;
	_ =	shalt  }
.Lfunc_end2:
_tile_overlayer_lowered:
.L_overlay_start_2:
0xfd: {  	(tag) =	ssettag $0x2  }
0xfe: {  	s0 =	rddreg [dreg:$0x0];
	s2 =	stileid.u32  }
0xff: {  	s1 =	rddreg [dreg:$0x1];
	p0 =	sne.s32 s2, $0x0  }
0x100: {  	s3 =	rddreg [dreg:$0x2];
	[bflag:$0x3] =	sbarrier.arrive $0xFFFF;
	s2 =	simm.s32 @!p0 $0x1C09  }
0x101: {  	[timem:s3], [sflag:s2] =	dma.local @!p0 [hbm:s0], s1  }
0x102: {  	s0 =	simm.s32 @!p0 $0x9  }
0x103: {  	_ =	swait.ge @!p0 [sflag:s0], s1  }
0x104: {  	s1 =	ssub.s32 @!p0 $0x0, s1;
	[sflag:s0] =	ssyncset.done @!p0 $0x0  }
0x105: {  	[sflag:s0] =	ssyncadd.s32 @!p0 s1  }
0x106: {  	[bflag:$0x3] =	sbarrier.arrive $0xFFFF  }
0x107: {  	_ =	shalt  }

</sc_bundles>
